<compile_context>
chip_gen: v7x
topology: tpu7x:2x2x1
jax: 0.10.2.dev20260603
libtpu: 0.0.44.dev20260713+nightly
codegen_flags: <defaults>
</compile_context>

<pallas_src>
import functools

import jax
import jax.numpy as jnp
from jax import lax
from jax.experimental import pallas as pl
from jax.experimental.pallas import tpu as pltpu
from jax.experimental.pallas import tpu_sc as plsc

NC = 2
NS = 16
NW = NC * NS

CHUNK = 128
NBUF = 5
PRIME = 3


def _make_sc_gather(total, d):
    per_w = total // NW
    nchunks = per_w // CHUNK
    ngroups = nchunks // NBUF
    mesh = plsc.VectorSubcoreMesh(core_axis_name="c", subcore_axis_name="s")

    @functools.partial(
        pl.kernel,
        mesh=mesh,
        out_type=jax.ShapeDtypeStruct((total, d), jnp.float32),
        scratch_types=[
            pltpu.VMEM((nchunks, CHUNK), jnp.int32),
            pltpu.VMEM((NBUF, CHUNK, d), jnp.float32),
            pltpu.VMEM_SHARED((NS, CHUNK, d), jnp.float32),
        ]
        + [pltpu.SemaphoreType.DMA] * (2 * NBUF + 2),
    )
    def gather_kernel(idx_hbm, table_hbm, out_hbm, idx_v, rows_v, shr_v, *sems):
        gsems = sems[:NBUF]
        wsems = sems[NBUF : 2 * NBUF]
        w2sems = sems[2 * NBUF : 2 * NBUF + 1]
        hsem = sems[2 * NBUF + 1]
        sid = lax.axis_index("s")
        wid = sid * NC + lax.axis_index("c")
        base = wid * per_w
        pltpu.sync_copy(idx_hbm.at[wid], idx_v)

        for b in range(PRIME):
            pltpu.async_copy(table_hbm.at[idx_v.at[b]], rows_v.at[b], gsems[b])

        def group(jo, carry):
            for b in range(NBUF):
                j = jo * NBUF + b
                pltpu.make_async_copy(
                    table_hbm.at[idx_v.at[j]], rows_v.at[b], gsems[b]
                ).wait()
                if b % 2 == 0:
                    pltpu.async_copy(
                        rows_v.at[b],
                        out_hbm.at[pl.ds(base + j * CHUNK, CHUNK)],
                        wsems[b],
                    )
                    if b > 0:
                        pltpu.make_async_copy(
                            rows_v.at[b - 1], shr_v.at[sid], hsem
                        ).wait()
                        pltpu.async_copy(
                            shr_v.at[sid],
                            out_hbm.at[pl.ds(base + (j - 1) * CHUNK, CHUNK)],
                            w2sems[0],
                        )
                else:
                    cond = j > 4 if b == 1 else j >= 3

                    @pl.when(cond)
                    def _():
                        pltpu.make_async_copy(
                            shr_v.at[sid],
                            out_hbm.at[pl.ds(base, CHUNK)],
                            w2sems[0],
                        ).wait()

                    pltpu.async_copy(rows_v.at[b], shr_v.at[sid], hsem)
                jn = j + PRIME
                bn = (b + PRIME) % NBUF

                @pl.when(jn < nchunks)
                def _():
                    if bn % 2 == 0:
                        @pl.when(j >= NBUF - PRIME)
                        def _():
                            pltpu.make_async_copy(
                                rows_v.at[bn],
                                out_hbm.at[pl.ds(base, CHUNK)],
                                wsems[bn],
                            ).wait()

                    pltpu.async_copy(
                        table_hbm.at[idx_v.at[jn]], rows_v.at[bn], gsems[bn]
                    )

            return carry

        lax.fori_loop(0, ngroups, group, 0)

        for b in range(NBUF):
            if b % 2 == 0:
                pltpu.make_async_copy(
                    rows_v.at[b], out_hbm.at[pl.ds(base, CHUNK)], wsems[b]
                ).wait()
        pltpu.make_async_copy(
            shr_v.at[sid], out_hbm.at[pl.ds(base, CHUNK)], w2sems[0]
        ).wait()

    return gather_kernel


def kernel(x, table):
    total = x.shape[0] * x.shape[1]
    d = table.shape[1]
    idx = x.astype(jnp.int32).reshape(NW, total // (NW * CHUNK), CHUNK)
    out = _make_sc_gather(total, d)(idx, table)
    return out.reshape(x.shape[0], x.shape[1], d)

# --- scband reference (transcript-rebuilt; emitter-appended) ---
"""Pipeline reference for scband-token-embedding-60198261620777 (READ-ONLY COPY).

The authoritative reference and input builder live on the scoring server;
editing this copy changes nothing except your own understanding.
"""

import jax, jax.numpy as jnp
import numpy as np

TOTAL_OBS = 100000
OUTPUT_SIZE = 128
BATCH = 4096
SEQ = 200

def setup_inputs(seed: int = 0) -> dict:
    key = jax.random.key(seed)
    k1, k2 = jax.random.split(key)
    x = jax.random.randint(k1, (BATCH, SEQ), 0, TOTAL_OBS, dtype=jnp.int64 if jax.config.read('jax_enable_x64') else jnp.int32)
    table = jax.random.normal(k2, (TOTAL_OBS, OUTPUT_SIZE), dtype=jnp.float32) * 0.05
    return {"x": x, "table": table}

def reference(x, table):
    # Keras Embedding(mask_zero=True) still returns the row for index 0;
    # the mask is propagated separately, so the forward output is a plain gather.
    return jnp.take(table, x, axis=0)

if __name__ == "__main__":
    import jax
    _d = setup_inputs()
    print(jax.jit(kernel)(*tuple(_d.values())))

</pallas_src>

<mosaic_0001>
#map = affine_map<(d0, d1) -> (0, 0, 0)>
#map1 = affine_map<(d0, d1) -> (0, 0)>
module attributes {stable_mosaic.version = 14 : i64} {
  func.func @gather_kernel(%arg0: i32, %arg1: i32, %arg2: memref<32x200x128xi32, #tpu.memory_space<hbm>>, %arg3: memref<100000x128xf32, #tpu.memory_space<hbm>>, %arg4: memref<819200x128xf32, #tpu.memory_space<hbm>>, %arg5: memref<200x128xi32, #tpu.memory_space<vmem>>, %arg6: memref<5x128x128xf32, #tpu.memory_space<vmem>>, %arg7: memref<16x128x128xf32, #tpu.memory_space<vmem_shared>>, %arg8: memref<!tpu.dma_semaphore, #tpu.memory_space<semaphore_mem>>, %arg9: memref<!tpu.dma_semaphore, #tpu.memory_space<semaphore_mem>>, %arg10: memref<!tpu.dma_semaphore, #tpu.memory_space<semaphore_mem>>, %arg11: memref<!tpu.dma_semaphore, #tpu.memory_space<semaphore_mem>>, %arg12: memref<!tpu.dma_semaphore, #tpu.memory_space<semaphore_mem>>, %arg13: memref<!tpu.dma_semaphore, #tpu.memory_space<semaphore_mem>>, %arg14: memref<!tpu.dma_semaphore, #tpu.memory_space<semaphore_mem>>, %arg15: memref<!tpu.dma_semaphore, #tpu.memory_space<semaphore_mem>>, %arg16: memref<!tpu.dma_semaphore, #tpu.memory_space<semaphore_mem>>, %arg17: memref<!tpu.dma_semaphore, #tpu.memory_space<semaphore_mem>>, %arg18: memref<!tpu.dma_semaphore, #tpu.memory_space<semaphore_mem>>, %arg19: memref<!tpu.dma_semaphore, #tpu.memory_space<semaphore_mem>>) attributes {dimension_semantics = [#tpu.dimension_semantics<core_parallel>, #tpu.dimension_semantics<subcore_parallel>], iteration_bounds = array<i64: 2, 16>, scalar_prefetch = 0 : i64, scratch_operands = 15 : i64, tpu.core_type = #tpu.core_type<sc_vector_subcore>, window_params = [{transform_indices = #map}, {transform_indices = #map1}, {transform_indices = #map1}]} {
    %mul3A = arith.constant 2 : i32
    %mul3A_0 = arith.muli %arg1, %mul3A : i32
    %add3A = arith.addi %mul3A_0, %arg0 : i32
    %mul3A_1 = arith.constant 25600 : i32
    %mul3A_2 = arith.muli %add3A, %mul3A_1 : i32
    "tpu.region"() ({
      %run_scoped3A = tpu.sem_alloc : memref<!tpu.dma_semaphore, #tpu.memory_space<semaphore_mem>>
      %dma_start3A_87 = arith.constant 0 : i32
      %dma_start3A_88 = arith.constant 0 : i32
      %dma_start3A_89 = tpu.memref_slice %arg2[%add3A, %dma_start3A_87, %dma_start3A_88] : memref<32x200x128xi32, #tpu.memory_space<hbm>> -> memref<1x200x128xi32, #tpu.memory_space<hbm>>
      %dma_start3A_90 = tpu.memref_squeeze %dma_start3A_89 : memref<1x200x128xi32, #tpu.memory_space<hbm>> -> memref<200x128xi32, #tpu.memory_space<hbm>>
      %dma_start3A_91 = arith.constant 0 : i32
      %dma_start3A_92 = arith.constant 0 : i32
      %dma_start3A_93 = tpu.memref_slice %arg2[%add3A, %dma_start3A_91, %dma_start3A_92] : memref<32x200x128xi32, #tpu.memory_space<hbm>> -> memref<1x200x128xi32, #tpu.memory_space<hbm>>
      %dma_start3A_94 = tpu.memref_squeeze %dma_start3A_93 : memref<1x200x128xi32, #tpu.memory_space<hbm>> -> memref<200x128xi32, #tpu.memory_space<hbm>>
      tpu.enqueue_dma source(%dma_start3A_94 : memref<200x128xi32, #tpu.memory_space<hbm>>) target(%arg5 : memref<200x128xi32, #tpu.memory_space<vmem>>) target_semaphore(%run_scoped3A : memref<!tpu.dma_semaphore, #tpu.memory_space<semaphore_mem>>)
      %dma_wait3A_95 = arith.constant 0 : i32
      %dma_wait3A_96 = arith.constant 0 : i32
      %dma_wait3A_97 = tpu.memref_slice %arg2[%add3A, %dma_wait3A_95, %dma_wait3A_96] : memref<32x200x128xi32, #tpu.memory_space<hbm>> -> memref<1x200x128xi32, #tpu.memory_space<hbm>>
      %dma_wait3A_98 = tpu.memref_squeeze %dma_wait3A_97 : memref<1x200x128xi32, #tpu.memory_space<hbm>> -> memref<200x128xi32, #tpu.memory_space<hbm>>
      %dma_wait3A_99 = arith.constant 0 : i32
      %dma_wait3A_100 = arith.constant 0 : i32
      %dma_wait3A_101 = tpu.memref_slice %arg2[%add3A, %dma_wait3A_99, %dma_wait3A_100] : memref<32x200x128xi32, #tpu.memory_space<hbm>> -> memref<1x200x128xi32, #tpu.memory_space<hbm>>
      %dma_wait3A_102 = tpu.memref_squeeze %dma_wait3A_101 : memref<1x200x128xi32, #tpu.memory_space<hbm>> -> memref<200x128xi32, #tpu.memory_space<hbm>>
      tpu.wait_dma2 semaphore(%run_scoped3A : memref<!tpu.dma_semaphore, #tpu.memory_space<semaphore_mem>>) src(%dma_wait3A_102 : memref<200x128xi32, #tpu.memory_space<hbm>>) dst(%arg5 : memref<200x128xi32, #tpu.memory_space<vmem>>)
      tpu.yield
    }) : () -> ()
    %dma_start3A = arith.constant 0 : i32
    %dma_start3A_3 = arith.constant 0 : i32
    %dma_start3A_4 = arith.constant 0 : i32
    %dma_start3A_5 = arith.constant 0 : i32
    %dma_start3A_6 = tpu.memref_slice %arg6[%dma_start3A_3, %dma_start3A_4, %dma_start3A_5] : memref<5x128x128xf32, #tpu.memory_space<vmem>> -> memref<1x128x128xf32, #tpu.memory_space<vmem>>
    %dma_start3A_7 = tpu.memref_squeeze %dma_start3A_6 : memref<1x128x128xf32, #tpu.memory_space<vmem>> -> memref<128x128xf32, #tpu.memory_space<vmem>>
    %dma_start3A_8 = arith.constant 0 : i32
    %dma_start3A_9 = tpu.memref_slice %arg5[%dma_start3A, %dma_start3A_8] : memref<200x128xi32, #tpu.memory_space<vmem>> -> memref<1x128xi32, #tpu.memory_space<vmem>>
    %dma_start3A_10 = tpu.memref_squeeze %dma_start3A_9 : memref<1x128xi32, #tpu.memory_space<vmem>> -> memref<128xi32, #tpu.memory_space<vmem>>
    %dma_start3A_11 = arith.constant 0 : i32
    %dma_start3A_12 = arith.constant 0 : i32
    %dma_start3A_13 = tpu.memref_slice %arg3[%dma_start3A_11, %dma_start3A_12] : memref<100000x128xf32, #tpu.memory_space<hbm>> -> memref<100000x128xf32, #tpu.memory_space<hbm>>
    tpu.enqueue_indirect_dma source(%dma_start3A_13 : memref<100000x128xf32, #tpu.memory_space<hbm>>) target(%dma_start3A_7 : memref<128x128xf32, #tpu.memory_space<vmem>>) offsets(%dma_start3A_10 : memref<128xi32, #tpu.memory_space<vmem>>) semaphore(%arg8 : memref<!tpu.dma_semaphore, #tpu.memory_space<semaphore_mem>>)
    %dma_start3A_14 = arith.constant 1 : i32
    %dma_start3A_15 = arith.constant 1 : i32
    %dma_start3A_16 = arith.constant 0 : i32
    %dma_start3A_17 = arith.constant 0 : i32
    %dma_start3A_18 = tpu.memref_slice %arg6[%dma_start3A_15, %dma_start3A_16, %dma_start3A_17] : memref<5x128x128xf32, #tpu.memory_space<vmem>> -> memref<1x128x128xf32, #tpu.memory_space<vmem>>
    %dma_start3A_19 = tpu.memref_squeeze %dma_start3A_18 : memref<1x128x128xf32, #tpu.memory_space<vmem>> -> memref<128x128xf32, #tpu.memory_space<vmem>>
    %dma_start3A_20 = arith.constant 0 : i32
    %dma_start3A_21 = tpu.memref_slice %arg5[%dma_start3A_14, %dma_start3A_20] : memref<200x128xi32, #tpu.memory_space<vmem>> -> memref<1x128xi32, #tpu.memory_space<vmem>>
    %dma_start3A_22 = tpu.memref_squeeze %dma_start3A_21 : memref<1x128xi32, #tpu.memory_space<vmem>> -> memref<128xi32, #tpu.memory_space<vmem>>
    %dma_start3A_23 = arith.constant 0 : i32
    %dma_start3A_24 = arith.constant 0 : i32
    %dma_start3A_25 = tpu.memref_slice %arg3[%dma_start3A_23, %dma_start3A_24] : memref<100000x128xf32, #tpu.memory_space<hbm>> -> memref<100000x128xf32, #tpu.memory_space<hbm>>
    tpu.enqueue_indirect_dma source(%dma_start3A_25 : memref<100000x128xf32, #tpu.memory_space<hbm>>) target(%dma_start3A_19 : memref<128x128xf32, #tpu.memory_space<vmem>>) offsets(%dma_start3A_22 : memref<128xi32, #tpu.memory_space<vmem>>) semaphore(%arg9 : memref<!tpu.dma_semaphore, #tpu.memory_space<semaphore_mem>>)
    %dma_start3A_26 = arith.constant 2 : i32
    %dma_start3A_27 = arith.constant 2 : i32
    %dma_start3A_28 = arith.constant 0 : i32
    %dma_start3A_29 = arith.constant 0 : i32
    %dma_start3A_30 = tpu.memref_slice %arg6[%dma_start3A_27, %dma_start3A_28, %dma_start3A_29] : memref<5x128x128xf32, #tpu.memory_space<vmem>> -> memref<1x128x128xf32, #tpu.memory_space<vmem>>
    %dma_start3A_31 = tpu.memref_squeeze %dma_start3A_30 : memref<1x128x128xf32, #tpu.memory_space<vmem>> -> memref<128x128xf32, #tpu.memory_space<vmem>>
    %dma_start3A_32 = arith.constant 0 : i32
    %dma_start3A_33 = tpu.memref_slice %arg5[%dma_start3A_26, %dma_start3A_32] : memref<200x128xi32, #tpu.memory_space<vmem>> -> memref<1x128xi32, #tpu.memory_space<vmem>>
    %dma_start3A_34 = tpu.memref_squeeze %dma_start3A_33 : memref<1x128xi32, #tpu.memory_space<vmem>> -> memref<128xi32, #tpu.memory_space<vmem>>
    %dma_start3A_35 = arith.constant 0 : i32
    %dma_start3A_36 = arith.constant 0 : i32
    %dma_start3A_37 = tpu.memref_slice %arg3[%dma_start3A_35, %dma_start3A_36] : memref<100000x128xf32, #tpu.memory_space<hbm>> -> memref<100000x128xf32, #tpu.memory_space<hbm>>
    tpu.enqueue_indirect_dma source(%dma_start3A_37 : memref<100000x128xf32, #tpu.memory_space<hbm>>) target(%dma_start3A_31 : memref<128x128xf32, #tpu.memory_space<vmem>>) offsets(%dma_start3A_34 : memref<128xi32, #tpu.memory_space<vmem>>) semaphore(%arg10 : memref<!tpu.dma_semaphore, #tpu.memory_space<semaphore_mem>>)
    %scan3A = arith.constant 0 : i32
    %scan3A_38 = arith.constant 0 : i32
    %scan3A_39 = arith.constant 40 : i32
    %scan3A_40 = arith.addi %scan3A_38, %scan3A_39 : i32
    %scan3A_41 = arith.constant 1 : i32
    scf.for %scan3A_87 = %scan3A_38 to %scan3A_40 step %scan3A_41  : i32 {
      %mul3A_88 = arith.constant 5 : i32
      %mul3A_89 = arith.muli %scan3A_87, %mul3A_88 : i32
      %add3A_90 = arith.constant 0 : i32
      %add3A_91 = arith.addi %mul3A_89, %add3A_90 : i32
      %dma_wait3A_92 = arith.constant 0 : i32
      %dma_wait3A_93 = arith.constant 0 : i32
      %dma_wait3A_94 = arith.constant 0 : i32
      %dma_wait3A_95 = tpu.memref_slice %arg6[%dma_wait3A_92, %dma_wait3A_93, %dma_wait3A_94] : memref<5x128x128xf32, #tpu.memory_space<vmem>> -> memref<1x128x128xf32, #tpu.memory_space<vmem>>
      %dma_wait3A_96 = tpu.memref_squeeze %dma_wait3A_95 : memref<1x128x128xf32, #tpu.memory_space<vmem>> -> memref<128x128xf32, #tpu.memory_space<vmem>>
      %dma_wait3A_97 = arith.constant 0 : i32
      %dma_wait3A_98 = tpu.memref_slice %arg5[%add3A_91, %dma_wait3A_97] : memref<200x128xi32, #tpu.memory_space<vmem>> -> memref<1x128xi32, #tpu.memory_space<vmem>>
      %dma_wait3A_99 = tpu.memref_squeeze %dma_wait3A_98 : memref<1x128xi32, #tpu.memory_space<vmem>> -> memref<128xi32, #tpu.memory_space<vmem>>
      %dma_wait3A_100 = arith.constant 0 : i32
      %dma_wait3A_101 = arith.constant 0 : i32
      %dma_wait3A_102 = tpu.memref_slice %arg3[%dma_wait3A_100, %dma_wait3A_101] : memref<100000x128xf32, #tpu.memory_space<hbm>> -> memref<100000x128xf32, #tpu.memory_space<hbm>>
      tpu.wait_indirect_dma semaphore(%arg8 : memref<!tpu.dma_semaphore, #tpu.memory_space<semaphore_mem>>) src(%dma_wait3A_102 : memref<100000x128xf32, #tpu.memory_space<hbm>>) dst(%dma_wait3A_96 : memref<128x128xf32, #tpu.memory_space<vmem>>)
      %mul3A_103 = arith.constant 128 : i32
      %mul3A_104 = arith.muli %add3A_91, %mul3A_103 : i32
      %add3A_105 = arith.addi %mul3A_2, %mul3A_104 : i32
      %dma_start3A_106 = arith.constant 0 : i32
      %dma_start3A_107 = arith.constant 0 : i32
      %dma_start3A_108 = arith.constant 0 : i32
      %dma_start3A_109 = tpu.memref_slice %arg6[%dma_start3A_106, %dma_start3A_107, %dma_start3A_108] : memref<5x128x128xf32, #tpu.memory_space<vmem>> -> memref<1x128x128xf32, #tpu.memory_space<vmem>>
      %dma_start3A_110 = tpu.memref_squeeze %dma_start3A_109 : memref<1x128x128xf32, #tpu.memory_space<vmem>> -> memref<128x128xf32, #tpu.memory_space<vmem>>
      %dma_start3A_111 = arith.constant 0 : i32
      %dma_start3A_112 = tpu.memref_slice %arg4[%add3A_105, %dma_start3A_111] : memref<819200x128xf32, #tpu.memory_space<hbm>> -> memref<128x128xf32, #tpu.memory_space<hbm>>
      %dma_start3A_113 = arith.constant 0 : i32
      %dma_start3A_114 = tpu.memref_slice %arg4[%add3A_105, %dma_start3A_113] : memref<819200x128xf32, #tpu.memory_space<hbm>> -> memref<128x128xf32, #tpu.memory_space<hbm>>
      %dma_start3A_115 = arith.constant 0 : i32
      %dma_start3A_116 = arith.constant 0 : i32
      %dma_start3A_117 = tpu.memref_slice %arg6[%dma_start3A_106, %dma_start3A_115, %dma_start3A_116] : memref<5x128x128xf32, #tpu.memory_space<vmem>> -> memref<1x128x128xf32, #tpu.memory_space<vmem>>
      %dma_start3A_118 = tpu.memref_squeeze %dma_start3A_117 : memref<1x128x128xf32, #tpu.memory_space<vmem>> -> memref<128x128xf32, #tpu.memory_space<vmem>>
      tpu.enqueue_dma source(%dma_start3A_118 : memref<128x128xf32, #tpu.memory_space<vmem>>) target(%dma_start3A_114 : memref<128x128xf32, #tpu.memory_space<hbm>>) target_semaphore(%arg13 : memref<!tpu.dma_semaphore, #tpu.memory_space<semaphore_mem>>)
      %add3A_119 = arith.constant 3 : i32
      %add3A_120 = arith.addi %add3A_91, %add3A_119 : i32
      %lt3A = arith.constant 200 : i32
      %lt3A_121 = arith.cmpi slt, %add3A_120, %lt3A : i32
      %convert_element_type3A = arith.extui %lt3A_121 : i1 to i32
      %cond3A = arith.constant 0 : i32
      %cond3A_122 = arith.cmpi ne, %convert_element_type3A, %cond3A : i32
      scf.if %cond3A_122 {
        %dma_start3A_340 = arith.constant 3 : i32
        %dma_start3A_341 = arith.constant 0 : i32
        %dma_start3A_342 = arith.constant 0 : i32
        %dma_start3A_343 = tpu.memref_slice %arg6[%dma_start3A_340, %dma_start3A_341, %dma_start3A_342] : memref<5x128x128xf32, #tpu.memory_space<vmem>> -> memref<1x128x128xf32, #tpu.memory_space<vmem>>
        %dma_start3A_344 = tpu.memref_squeeze %dma_start3A_343 : memref<1x128x128xf32, #tpu.memory_space<vmem>> -> memref<128x128xf32, #tpu.memory_space<vmem>>
        %dma_start3A_345 = arith.constant 0 : i32
        %dma_start3A_346 = tpu.memref_slice %arg5[%add3A_120, %dma_start3A_345] : memref<200x128xi32, #tpu.memory_space<vmem>> -> memref<1x128xi32, #tpu.memory_space<vmem>>
        %dma_start3A_347 = tpu.memref_squeeze %dma_start3A_346 : memref<1x128xi32, #tpu.memory_space<vmem>> -> memref<128xi32, #tpu.memory_space<vmem>>
        %dma_start3A_348 = arith.constant 0 : i32
        %dma_start3A_349 = arith.constant 0 : i32
        %dma_start3A_350 = tpu.memref_slice %arg3[%dma_start3A_348, %dma_start3A_349] : memref<100000x128xf32, #tpu.memory_space<hbm>> -> memref<100000x128xf32, #tpu.memory_space<hbm>>
        tpu.enqueue_indirect_dma source(%dma_start3A_350 : memref<100000x128xf32, #tpu.memory_space<hbm>>) target(%dma_start3A_344 : memref<128x128xf32, #tpu.memory_space<vmem>>) offsets(%dma_start3A_347 : memref<128xi32, #tpu.memory_space<vmem>>) semaphore(%arg11 : memref<!tpu.dma_semaphore, #tpu.memory_space<semaphore_mem>>)
      } else {
      }
      %mul3A_123 = arith.constant 5 : i32
      %mul3A_124 = arith.muli %scan3A_87, %mul3A_123 : i32
      %add3A_125 = arith.constant 1 : i32
      %add3A_126 = arith.addi %mul3A_124, %add3A_125 : i32
      %dma_wait3A_127 = arith.constant 1 : i32
      %dma_wait3A_128 = arith.constant 0 : i32
      %dma_wait3A_129 = arith.constant 0 : i32
      %dma_wait3A_130 = tpu.memref_slice %arg6[%dma_wait3A_127, %dma_wait3A_128, %dma_wait3A_129] : memref<5x128x128xf32, #tpu.memory_space<vmem>> -> memref<1x128x128xf32, #tpu.memory_space<vmem>>
      %dma_wait3A_131 = tpu.memref_squeeze %dma_wait3A_130 : memref<1x128x128xf32, #tpu.memory_space<vmem>> -> memref<128x128xf32, #tpu.memory_space<vmem>>
      %dma_wait3A_132 = arith.constant 0 : i32
      %dma_wait3A_133 = tpu.memref_slice %arg5[%add3A_126, %dma_wait3A_132] : memref<200x128xi32, #tpu.memory_space<vmem>> -> memref<1x128xi32, #tpu.memory_space<vmem>>
      %dma_wait3A_134 = tpu.memref_squeeze %dma_wait3A_133 : memref<1x128xi32, #tpu.memory_space<vmem>> -> memref<128xi32, #tpu.memory_space<vmem>>
      %dma_wait3A_135 = arith.constant 0 : i32
      %dma_wait3A_136 = arith.constant 0 : i32
      %dma_wait3A_137 = tpu.memref_slice %arg3[%dma_wait3A_135, %dma_wait3A_136] : memref<100000x128xf32, #tpu.memory_space<hbm>> -> memref<100000x128xf32, #tpu.memory_space<hbm>>
      tpu.wait_indirect_dma semaphore(%arg9 : memref<!tpu.dma_semaphore, #tpu.memory_space<semaphore_mem>>) src(%dma_wait3A_137 : memref<100000x128xf32, #tpu.memory_space<hbm>>) dst(%dma_wait3A_131 : memref<128x128xf32, #tpu.memory_space<vmem>>)
      %gt3A = arith.constant 4 : i32
      %gt3A_138 = arith.cmpi sgt, %add3A_126, %gt3A : i32
      %convert_element_type3A_139 = arith.extui %gt3A_138 : i1 to i32
      %cond3A_140 = arith.constant 0 : i32
      %cond3A_141 = arith.cmpi ne, %convert_element_type3A_139, %cond3A_140 : i32
      scf.if %cond3A_141 {
        %dma_wait3A_340 = arith.constant 0 : i32
        %dma_wait3A_341 = tpu.memref_slice %arg4[%mul3A_2, %dma_wait3A_340] : memref<819200x128xf32, #tpu.memory_space<hbm>> -> memref<128x128xf32, #tpu.memory_space<hbm>>
        %dma_wait3A_342 = arith.constant 0 : i32
        %dma_wait3A_343 = arith.constant 0 : i32
        %dma_wait3A_344 = tpu.memref_slice %arg7[%arg1, %dma_wait3A_342, %dma_wait3A_343] : memref<16x128x128xf32, #tpu.memory_space<vmem_shared>> -> memref<1x128x128xf32, #tpu.memory_space<vmem_shared>>
        %dma_wait3A_345 = tpu.memref_squeeze %dma_wait3A_344 : memref<1x128x128xf32, #tpu.memory_space<vmem_shared>> -> memref<128x128xf32, #tpu.memory_space<vmem_shared>>
        tpu.wait_dma2 semaphore(%arg18 : memref<!tpu.dma_semaphore, #tpu.memory_space<semaphore_mem>>) src(%dma_wait3A_345 : memref<128x128xf32, #tpu.memory_space<vmem_shared>>) dst(%dma_wait3A_341 : memref<128x128xf32, #tpu.memory_space<hbm>>)
      } else {
      }
      %dma_start3A_142 = arith.constant 1 : i32
      %dma_start3A_143 = arith.constant 0 : i32
      %dma_start3A_144 = arith.constant 0 : i32
      %dma_start3A_145 = tpu.memref_slice %arg6[%dma_start3A_142, %dma_start3A_143, %dma_start3A_144] : memref<5x128x128xf32, #tpu.memory_space<vmem>> -> memref<1x128x128xf32, #tpu.memory_space<vmem>>
      %dma_start3A_146 = tpu.memref_squeeze %dma_start3A_145 : memref<1x128x128xf32, #tpu.memory_space<vmem>> -> memref<128x128xf32, #tpu.memory_space<vmem>>
      %dma_start3A_147 = arith.constant 0 : i32
      %dma_start3A_148 = arith.constant 0 : i32
      %dma_start3A_149 = tpu.memref_slice %arg7[%arg1, %dma_start3A_147, %dma_start3A_148] : memref<16x128x128xf32, #tpu.memory_space<vmem_shared>> -> memref<1x128x128xf32, #tpu.memory_space<vmem_shared>>
      %dma_start3A_150 = tpu.memref_squeeze %dma_start3A_149 : memref<1x128x128xf32, #tpu.memory_space<vmem_shared>> -> memref<128x128xf32, #tpu.memory_space<vmem_shared>>
      %dma_start3A_151 = arith.constant 0 : i32
      %dma_start3A_152 = arith.constant 0 : i32
      %dma_start3A_153 = tpu.memref_slice %arg7[%arg1, %dma_start3A_151, %dma_start3A_152] : memref<16x128x128xf32, #tpu.memory_space<vmem_shared>> -> memref<1x128x128xf32, #tpu.memory_space<vmem_shared>>
      %dma_start3A_154 = tpu.memref_squeeze %dma_start3A_153 : memref<1x128x128xf32, #tpu.memory_space<vmem_shared>> -> memref<128x128xf32, #tpu.memory_space<vmem_shared>>
      %dma_start3A_155 = arith.constant 0 : i32
      %dma_start3A_156 = arith.constant 0 : i32
      %dma_start3A_157 = tpu.memref_slice %arg6[%dma_start3A_142, %dma_start3A_155, %dma_start3A_156] : memref<5x128x128xf32, #tpu.memory_space<vmem>> -> memref<1x128x128xf32, #tpu.memory_space<vmem>>
      %dma_start3A_158 = tpu.memref_squeeze %dma_start3A_157 : memref<1x128x128xf32, #tpu.memory_space<vmem>> -> memref<128x128xf32, #tpu.memory_space<vmem>>
      tpu.enqueue_dma source(%dma_start3A_158 : memref<128x128xf32, #tpu.memory_space<vmem>>) target(%dma_start3A_154 : memref<128x128xf32, #tpu.memory_space<vmem_shared>>) target_semaphore(%arg19 : memref<!tpu.dma_semaphore, #tpu.memory_space<semaphore_mem>>)
      %add3A_159 = arith.constant 3 : i32
      %add3A_160 = arith.addi %add3A_126, %add3A_159 : i32
      %lt3A_161 = arith.constant 200 : i32
      %lt3A_162 = arith.cmpi slt, %add3A_160, %lt3A_161 : i32
      %convert_element_type3A_163 = arith.extui %lt3A_162 : i1 to i32
      %cond3A_164 = arith.constant 0 : i32
      %cond3A_165 = arith.cmpi ne, %convert_element_type3A_163, %cond3A_164 : i32
      scf.if %cond3A_165 {
        %ge3A_340 = arith.constant 2 : i32
        %ge3A_341 = arith.cmpi sge, %add3A_126, %ge3A_340 : i32
        %convert_element_type3A_342 = arith.extui %ge3A_341 : i1 to i32
        %cond3A_343 = arith.constant 0 : i32
        %cond3A_344 = arith.cmpi ne, %convert_element_type3A_342, %cond3A_343 : i32
        scf.if %cond3A_344 {
          %dma_wait3A_356 = arith.constant 4 : i32
          %dma_wait3A_357 = arith.constant 0 : i32
          %dma_wait3A_358 = arith.constant 0 : i32
          %dma_wait3A_359 = tpu.memref_slice %arg6[%dma_wait3A_356, %dma_wait3A_357, %dma_wait3A_358] : memref<5x128x128xf32, #tpu.memory_space<vmem>> -> memref<1x128x128xf32, #tpu.memory_space<vmem>>
          %dma_wait3A_360 = tpu.memref_squeeze %dma_wait3A_359 : memref<1x128x128xf32, #tpu.memory_space<vmem>> -> memref<128x128xf32, #tpu.memory_space<vmem>>
          %dma_wait3A_361 = arith.constant 0 : i32
          %dma_wait3A_362 = tpu.memref_slice %arg4[%mul3A_2, %dma_wait3A_361] : memref<819200x128xf32, #tpu.memory_space<hbm>> -> memref<128x128xf32, #tpu.memory_space<hbm>>
          %dma_wait3A_363 = arith.constant 0 : i32
          %dma_wait3A_364 = tpu.memref_slice %arg4[%mul3A_2, %dma_wait3A_363] : memref<819200x128xf32, #tpu.memory_space<hbm>> -> memref<128x128xf32, #tpu.memory_space<hbm>>
          %dma_wait3A_365 = arith.constant 0 : i32
          %dma_wait3A_366 = arith.constant 0 : i32
          %dma_wait3A_367 = tpu.memref_slice %arg6[%dma_wait3A_356, %dma_wait3A_365, %dma_wait3A_366] : memref<5x128x128xf32, #tpu.memory_space<vmem>> -> memref<1x128x128xf32, #tpu.memory_space<vmem>>
          %dma_wait3A_368 = tpu.memref_squeeze %dma_wait3A_367 : memref<1x128x128xf32, #tpu.memory_space<vmem>> -> memref<128x128xf32, #tpu.memory_space<vmem>>
          tpu.wait_dma2 semaphore(%arg17 : memref<!tpu.dma_semaphore, #tpu.memory_space<semaphore_mem>>) src(%dma_wait3A_368 : memref<128x128xf32, #tpu.memory_space<vmem>>) dst(%dma_wait3A_364 : memref<128x128xf32, #tpu.memory_space<hbm>>)
        } else {
        }
        %dma_start3A_345 = arith.constant 4 : i32
        %dma_start3A_346 = arith.constant 0 : i32
        %dma_start3A_347 = arith.constant 0 : i32
        %dma_start3A_348 = tpu.memref_slice %arg6[%dma_start3A_345, %dma_start3A_346, %dma_start3A_347] : memref<5x128x128xf32, #tpu.memory_space<vmem>> -> memref<1x128x128xf32, #tpu.memory_space<vmem>>
        %dma_start3A_349 = tpu.memref_squeeze %dma_start3A_348 : memref<1x128x128xf32, #tpu.memory_space<vmem>> -> memref<128x128xf32, #tpu.memory_space<vmem>>
        %dma_start3A_350 = arith.constant 0 : i32
        %dma_start3A_351 = tpu.memref_slice %arg5[%add3A_160, %dma_start3A_350] : memref<200x128xi32, #tpu.memory_space<vmem>> -> memref<1x128xi32, #tpu.memory_space<vmem>>
        %dma_start3A_352 = tpu.memref_squeeze %dma_start3A_351 : memref<1x128xi32, #tpu.memory_space<vmem>> -> memref<128xi32, #tpu.memory_space<vmem>>
        %dma_start3A_353 = arith.constant 0 : i32
        %dma_start3A_354 = arith.constant 0 : i32
        %dma_start3A_355 = tpu.memref_slice %arg3[%dma_start3A_353, %dma_start3A_354] : memref<100000x128xf32, #tpu.memory_space<hbm>> -> memref<100000x128xf32, #tpu.memory_space<hbm>>
        tpu.enqueue_indirect_dma source(%dma_start3A_355 : memref<100000x128xf32, #tpu.memory_space<hbm>>) target(%dma_start3A_349 : memref<128x128xf32, #tpu.memory_space<vmem>>) offsets(%dma_start3A_352 : memref<128xi32, #tpu.memory_space<vmem>>) semaphore(%arg12 : memref<!tpu.dma_semaphore, #tpu.memory_space<semaphore_mem>>)
      } else {
      }
      %mul3A_166 = arith.constant 5 : i32
      %mul3A_167 = arith.muli %scan3A_87, %mul3A_166 : i32
      %add3A_168 = arith.constant 2 : i32
      %add3A_169 = arith.addi %mul3A_167, %add3A_168 : i32
      %dma_wait3A_170 = arith.constant 2 : i32
      %dma_wait3A_171 = arith.constant 0 : i32
      %dma_wait3A_172 = arith.constant 0 : i32
      %dma_wait3A_173 = tpu.memref_slice %arg6[%dma_wait3A_170, %dma_wait3A_171, %dma_wait3A_172] : memref<5x128x128xf32, #tpu.memory_space<vmem>> -> memref<1x128x128xf32, #tpu.memory_space<vmem>>
      %dma_wait3A_174 = tpu.memref_squeeze %dma_wait3A_173 : memref<1x128x128xf32, #tpu.memory_space<vmem>> -> memref<128x128xf32, #tpu.memory_space<vmem>>
      %dma_wait3A_175 = arith.constant 0 : i32
      %dma_wait3A_176 = tpu.memref_slice %arg5[%add3A_169, %dma_wait3A_175] : memref<200x128xi32, #tpu.memory_space<vmem>> -> memref<1x128xi32, #tpu.memory_space<vmem>>
      %dma_wait3A_177 = tpu.memref_squeeze %dma_wait3A_176 : memref<1x128xi32, #tpu.memory_space<vmem>> -> memref<128xi32, #tpu.memory_space<vmem>>
      %dma_wait3A_178 = arith.constant 0 : i32
      %dma_wait3A_179 = arith.constant 0 : i32
      %dma_wait3A_180 = tpu.memref_slice %arg3[%dma_wait3A_178, %dma_wait3A_179] : memref<100000x128xf32, #tpu.memory_space<hbm>> -> memref<100000x128xf32, #tpu.memory_space<hbm>>
      tpu.wait_indirect_dma semaphore(%arg10 : memref<!tpu.dma_semaphore, #tpu.memory_space<semaphore_mem>>) src(%dma_wait3A_180 : memref<100000x128xf32, #tpu.memory_space<hbm>>) dst(%dma_wait3A_174 : memref<128x128xf32, #tpu.memory_space<vmem>>)
      %mul3A_181 = arith.constant 128 : i32
      %mul3A_182 = arith.muli %add3A_169, %mul3A_181 : i32
      %add3A_183 = arith.addi %mul3A_2, %mul3A_182 : i32
      %dma_start3A_184 = arith.constant 2 : i32
      %dma_start3A_185 = arith.constant 0 : i32
      %dma_start3A_186 = arith.constant 0 : i32
      %dma_start3A_187 = tpu.memref_slice %arg6[%dma_start3A_184, %dma_start3A_185, %dma_start3A_186] : memref<5x128x128xf32, #tpu.memory_space<vmem>> -> memref<1x128x128xf32, #tpu.memory_space<vmem>>
      %dma_start3A_188 = tpu.memref_squeeze %dma_start3A_187 : memref<1x128x128xf32, #tpu.memory_space<vmem>> -> memref<128x128xf32, #tpu.memory_space<vmem>>
      %dma_start3A_189 = arith.constant 0 : i32
      %dma_start3A_190 = tpu.memref_slice %arg4[%add3A_183, %dma_start3A_189] : memref<819200x128xf32, #tpu.memory_space<hbm>> -> memref<128x128xf32, #tpu.memory_space<hbm>>
      %dma_start3A_191 = arith.constant 0 : i32
      %dma_start3A_192 = tpu.memref_slice %arg4[%add3A_183, %dma_start3A_191] : memref<819200x128xf32, #tpu.memory_space<hbm>> -> memref<128x128xf32, #tpu.memory_space<hbm>>
      %dma_start3A_193 = arith.constant 0 : i32
      %dma_start3A_194 = arith.constant 0 : i32
      %dma_start3A_195 = tpu.memref_slice %arg6[%dma_start3A_184, %dma_start3A_193, %dma_start3A_194] : memref<5x128x128xf32, #tpu.memory_space<vmem>> -> memref<1x128x128xf32, #tpu.memory_space<vmem>>
      %dma_start3A_196 = tpu.memref_squeeze %dma_start3A_195 : memref<1x128x128xf32, #tpu.memory_space<vmem>> -> memref<128x128xf32, #tpu.memory_space<vmem>>
      tpu.enqueue_dma source(%dma_start3A_196 : memref<128x128xf32, #tpu.memory_space<vmem>>) target(%dma_start3A_192 : memref<128x128xf32, #tpu.memory_space<hbm>>) target_semaphore(%arg15 : memref<!tpu.dma_semaphore, #tpu.memory_space<semaphore_mem>>)
      %dma_wait3A_197 = arith.constant 1 : i32
      %dma_wait3A_198 = arith.constant 0 : i32
      %dma_wait3A_199 = arith.constant 0 : i32
      %dma_wait3A_200 = tpu.memref_slice %arg6[%dma_wait3A_197, %dma_wait3A_198, %dma_wait3A_199] : memref<5x128x128xf32, #tpu.memory_space<vmem>> -> memref<1x128x128xf32, #tpu.memory_space<vmem>>
      %dma_wait3A_201 = tpu.memref_squeeze %dma_wait3A_200 : memref<1x128x128xf32, #tpu.memory_space<vmem>> -> memref<128x128xf32, #tpu.memory_space<vmem>>
      %dma_wait3A_202 = arith.constant 0 : i32
      %dma_wait3A_203 = arith.constant 0 : i32
      %dma_wait3A_204 = tpu.memref_slice %arg7[%arg1, %dma_wait3A_202, %dma_wait3A_203] : memref<16x128x128xf32, #tpu.memory_space<vmem_shared>> -> memref<1x128x128xf32, #tpu.memory_space<vmem_shared>>
      %dma_wait3A_205 = tpu.memref_squeeze %dma_wait3A_204 : memref<1x128x128xf32, #tpu.memory_space<vmem_shared>> -> memref<128x128xf32, #tpu.memory_space<vmem_shared>>
      %dma_wait3A_206 = arith.constant 0 : i32
      %dma_wait3A_207 = arith.constant 0 : i32
      %dma_wait3A_208 = tpu.memref_slice %arg7[%arg1, %dma_wait3A_206, %dma_wait3A_207] : memref<16x128x128xf32, #tpu.memory_space<vmem_shared>> -> memref<1x128x128xf32, #tpu.memory_space<vmem_shared>>
      %dma_wait3A_209 = tpu.memref_squeeze %dma_wait3A_208 : memref<1x128x128xf32, #tpu.memory_space<vmem_shared>> -> memref<128x128xf32, #tpu.memory_space<vmem_shared>>
      %dma_wait3A_210 = arith.constant 0 : i32
      %dma_wait3A_211 = arith.constant 0 : i32
      %dma_wait3A_212 = tpu.memref_slice %arg6[%dma_wait3A_197, %dma_wait3A_210, %dma_wait3A_211] : memref<5x128x128xf32, #tpu.memory_space<vmem>> -> memref<1x128x128xf32, #tpu.memory_space<vmem>>
      %dma_wait3A_213 = tpu.memref_squeeze %dma_wait3A_212 : memref<1x128x128xf32, #tpu.memory_space<vmem>> -> memref<128x128xf32, #tpu.memory_space<vmem>>
      tpu.wait_dma2 semaphore(%arg19 : memref<!tpu.dma_semaphore, #tpu.memory_space<semaphore_mem>>) src(%dma_wait3A_213 : memref<128x128xf32, #tpu.memory_space<vmem>>) dst(%dma_wait3A_209 : memref<128x128xf32, #tpu.memory_space<vmem_shared>>)
      %sub3A = arith.constant 1 : i32
      %sub3A_214 = arith.subi %add3A_169, %sub3A : i32
      %mul3A_215 = arith.constant 128 : i32
      %mul3A_216 = arith.muli %sub3A_214, %mul3A_215 : i32
      %add3A_217 = arith.addi %mul3A_2, %mul3A_216 : i32
      %dma_start3A_218 = arith.constant 0 : i32
      %dma_start3A_219 = tpu.memref_slice %arg4[%add3A_217, %dma_start3A_218] : memref<819200x128xf32, #tpu.memory_space<hbm>> -> memref<128x128xf32, #tpu.memory_space<hbm>>
      %dma_start3A_220 = arith.constant 0 : i32
      %dma_start3A_221 = arith.constant 0 : i32
      %dma_start3A_222 = tpu.memref_slice %arg7[%arg1, %dma_start3A_220, %dma_start3A_221] : memref<16x128x128xf32, #tpu.memory_space<vmem_shared>> -> memref<1x128x128xf32, #tpu.memory_space<vmem_shared>>
      %dma_start3A_223 = tpu.memref_squeeze %dma_start3A_222 : memref<1x128x128xf32, #tpu.memory_space<vmem_shared>> -> memref<128x128xf32, #tpu.memory_space<vmem_shared>>
      tpu.enqueue_dma source(%dma_start3A_223 : memref<128x128xf32, #tpu.memory_space<vmem_shared>>) target(%dma_start3A_219 : memref<128x128xf32, #tpu.memory_space<hbm>>) target_semaphore(%arg18 : memref<!tpu.dma_semaphore, #tpu.memory_space<semaphore_mem>>)
      %add3A_224 = arith.constant 3 : i32
      %add3A_225 = arith.addi %add3A_169, %add3A_224 : i32
      %lt3A_226 = arith.constant 200 : i32
      %lt3A_227 = arith.cmpi slt, %add3A_225, %lt3A_226 : i32
      %convert_element_type3A_228 = arith.extui %lt3A_227 : i1 to i32
      %cond3A_229 = arith.constant 0 : i32
      %cond3A_230 = arith.cmpi ne, %convert_element_type3A_228, %cond3A_229 : i32
      scf.if %cond3A_230 {
        %ge3A_340 = arith.constant 2 : i32
        %ge3A_341 = arith.cmpi sge, %add3A_169, %ge3A_340 : i32
        %convert_element_type3A_342 = arith.extui %ge3A_341 : i1 to i32
        %cond3A_343 = arith.constant 0 : i32
        %cond3A_344 = arith.cmpi ne, %convert_element_type3A_342, %cond3A_343 : i32
        scf.if %cond3A_344 {
          %dma_wait3A_356 = arith.constant 0 : i32
          %dma_wait3A_357 = arith.constant 0 : i32
          %dma_wait3A_358 = arith.constant 0 : i32
          %dma_wait3A_359 = tpu.memref_slice %arg6[%dma_wait3A_356, %dma_wait3A_357, %dma_wait3A_358] : memref<5x128x128xf32, #tpu.memory_space<vmem>> -> memref<1x128x128xf32, #tpu.memory_space<vmem>>
          %dma_wait3A_360 = tpu.memref_squeeze %dma_wait3A_359 : memref<1x128x128xf32, #tpu.memory_space<vmem>> -> memref<128x128xf32, #tpu.memory_space<vmem>>
          %dma_wait3A_361 = arith.constant 0 : i32
          %dma_wait3A_362 = tpu.memref_slice %arg4[%mul3A_2, %dma_wait3A_361] : memref<819200x128xf32, #tpu.memory_space<hbm>> -> memref<128x128xf32, #tpu.memory_space<hbm>>
          %dma_wait3A_363 = arith.constant 0 : i32
          %dma_wait3A_364 = tpu.memref_slice %arg4[%mul3A_2, %dma_wait3A_363] : memref<819200x128xf32, #tpu.memory_space<hbm>> -> memref<128x128xf32, #tpu.memory_space<hbm>>
          %dma_wait3A_365 = arith.constant 0 : i32
          %dma_wait3A_366 = arith.constant 0 : i32
          %dma_wait3A_367 = tpu.memref_slice %arg6[%dma_wait3A_356, %dma_wait3A_365, %dma_wait3A_366] : memref<5x128x128xf32, #tpu.memory_space<vmem>> -> memref<1x128x128xf32, #tpu.memory_space<vmem>>
          %dma_wait3A_368 = tpu.memref_squeeze %dma_wait3A_367 : memref<1x128x128xf32, #tpu.memory_space<vmem>> -> memref<128x128xf32, #tpu.memory_space<vmem>>
          tpu.wait_dma2 semaphore(%arg13 : memref<!tpu.dma_semaphore, #tpu.memory_space<semaphore_mem>>) src(%dma_wait3A_368 : memref<128x128xf32, #tpu.memory_space<vmem>>) dst(%dma_wait3A_364 : memref<128x128xf32, #tpu.memory_space<hbm>>)
        } else {
        }
        %dma_start3A_345 = arith.constant 0 : i32
        %dma_start3A_346 = arith.constant 0 : i32
        %dma_start3A_347 = arith.constant 0 : i32
        %dma_start3A_348 = tpu.memref_slice %arg6[%dma_start3A_345, %dma_start3A_346, %dma_start3A_347] : memref<5x128x128xf32, #tpu.memory_space<vmem>> -> memref<1x128x128xf32, #tpu.memory_space<vmem>>
        %dma_start3A_349 = tpu.memref_squeeze %dma_start3A_348 : memref<1x128x128xf32, #tpu.memory_space<vmem>> -> memref<128x128xf32, #tpu.memory_space<vmem>>
        %dma_start3A_350 = arith.constant 0 : i32
        %dma_start3A_351 = tpu.memref_slice %arg5[%add3A_225, %dma_start3A_350] : memref<200x128xi32, #tpu.memory_space<vmem>> -> memref<1x128xi32, #tpu.memory_space<vmem>>
        %dma_start3A_352 = tpu.memref_squeeze %dma_start3A_351 : memref<1x128xi32, #tpu.memory_space<vmem>> -> memref<128xi32, #tpu.memory_space<vmem>>
        %dma_start3A_353 = arith.constant 0 : i32
        %dma_start3A_354 = arith.constant 0 : i32
        %dma_start3A_355 = tpu.memref_slice %arg3[%dma_start3A_353, %dma_start3A_354] : memref<100000x128xf32, #tpu.memory_space<hbm>> -> memref<100000x128xf32, #tpu.memory_space<hbm>>
        tpu.enqueue_indirect_dma source(%dma_start3A_355 : memref<100000x128xf32, #tpu.memory_space<hbm>>) target(%dma_start3A_349 : memref<128x128xf32, #tpu.memory_space<vmem>>) offsets(%dma_start3A_352 : memref<128xi32, #tpu.memory_space<vmem>>) semaphore(%arg8 : memref<!tpu.dma_semaphore, #tpu.memory_space<semaphore_mem>>)
      } else {
      }
      %mul3A_231 = arith.constant 5 : i32
      %mul3A_232 = arith.muli %scan3A_87, %mul3A_231 : i32
      %add3A_233 = arith.constant 3 : i32
      %add3A_234 = arith.addi %mul3A_232, %add3A_233 : i32
      %dma_wait3A_235 = arith.constant 3 : i32
      %dma_wait3A_236 = arith.constant 0 : i32
      %dma_wait3A_237 = arith.constant 0 : i32
      %dma_wait3A_238 = tpu.memref_slice %arg6[%dma_wait3A_235, %dma_wait3A_236, %dma_wait3A_237] : memref<5x128x128xf32, #tpu.memory_space<vmem>> -> memref<1x128x128xf32, #tpu.memory_space<vmem>>
      %dma_wait3A_239 = tpu.memref_squeeze %dma_wait3A_238 : memref<1x128x128xf32, #tpu.memory_space<vmem>> -> memref<128x128xf32, #tpu.memory_space<vmem>>
      %dma_wait3A_240 = arith.constant 0 : i32
      %dma_wait3A_241 = tpu.memref_slice %arg5[%add3A_234, %dma_wait3A_240] : memref<200x128xi32, #tpu.memory_space<vmem>> -> memref<1x128xi32, #tpu.memory_space<vmem>>
      %dma_wait3A_242 = tpu.memref_squeeze %dma_wait3A_241 : memref<1x128xi32, #tpu.memory_space<vmem>> -> memref<128xi32, #tpu.memory_space<vmem>>
      %dma_wait3A_243 = arith.constant 0 : i32
      %dma_wait3A_244 = arith.constant 0 : i32
      %dma_wait3A_245 = tpu.memref_slice %arg3[%dma_wait3A_243, %dma_wait3A_244] : memref<100000x128xf32, #tpu.memory_space<hbm>> -> memref<100000x128xf32, #tpu.memory_space<hbm>>
      tpu.wait_indirect_dma semaphore(%arg11 : memref<!tpu.dma_semaphore, #tpu.memory_space<semaphore_mem>>) src(%dma_wait3A_245 : memref<100000x128xf32, #tpu.memory_space<hbm>>) dst(%dma_wait3A_239 : memref<128x128xf32, #tpu.memory_space<vmem>>)
      %ge3A = arith.constant 3 : i32
      %ge3A_246 = arith.cmpi sge, %add3A_234, %ge3A : i32
      %convert_element_type3A_247 = arith.extui %ge3A_246 : i1 to i32
      %cond3A_248 = arith.constant 0 : i32
      %cond3A_249 = arith.cmpi ne, %convert_element_type3A_247, %cond3A_248 : i32
      scf.if %cond3A_249 {
        %dma_wait3A_340 = arith.constant 0 : i32
        %dma_wait3A_341 = tpu.memref_slice %arg4[%mul3A_2, %dma_wait3A_340] : memref<819200x128xf32, #tpu.memory_space<hbm>> -> memref<128x128xf32, #tpu.memory_space<hbm>>
        %dma_wait3A_342 = arith.constant 0 : i32
        %dma_wait3A_343 = arith.constant 0 : i32
        %dma_wait3A_344 = tpu.memref_slice %arg7[%arg1, %dma_wait3A_342, %dma_wait3A_343] : memref<16x128x128xf32, #tpu.memory_space<vmem_shared>> -> memref<1x128x128xf32, #tpu.memory_space<vmem_shared>>
        %dma_wait3A_345 = tpu.memref_squeeze %dma_wait3A_344 : memref<1x128x128xf32, #tpu.memory_space<vmem_shared>> -> memref<128x128xf32, #tpu.memory_space<vmem_shared>>
        tpu.wait_dma2 semaphore(%arg18 : memref<!tpu.dma_semaphore, #tpu.memory_space<semaphore_mem>>) src(%dma_wait3A_345 : memref<128x128xf32, #tpu.memory_space<vmem_shared>>) dst(%dma_wait3A_341 : memref<128x128xf32, #tpu.memory_space<hbm>>)
      } else {
      }
      %dma_start3A_250 = arith.constant 3 : i32
      %dma_start3A_251 = arith.constant 0 : i32
      %dma_start3A_252 = arith.constant 0 : i32
      %dma_start3A_253 = tpu.memref_slice %arg6[%dma_start3A_250, %dma_start3A_251, %dma_start3A_252] : memref<5x128x128xf32, #tpu.memory_space<vmem>> -> memref<1x128x128xf32, #tpu.memory_space<vmem>>
      %dma_start3A_254 = tpu.memref_squeeze %dma_start3A_253 : memref<1x128x128xf32, #tpu.memory_space<vmem>> -> memref<128x128xf32, #tpu.memory_space<vmem>>
      %dma_start3A_255 = arith.constant 0 : i32
      %dma_start3A_256 = arith.constant 0 : i32
      %dma_start3A_257 = tpu.memref_slice %arg7[%arg1, %dma_start3A_255, %dma_start3A_256] : memref<16x128x128xf32, #tpu.memory_space<vmem_shared>> -> memref<1x128x128xf32, #tpu.memory_space<vmem_shared>>
      %dma_start3A_258 = tpu.memref_squeeze %dma_start3A_257 : memref<1x128x128xf32, #tpu.memory_space<vmem_shared>> -> memref<128x128xf32, #tpu.memory_space<vmem_shared>>
      %dma_start3A_259 = arith.constant 0 : i32
      %dma_start3A_260 = arith.constant 0 : i32
      %dma_start3A_261 = tpu.memref_slice %arg7[%arg1, %dma_start3A_259, %dma_start3A_260] : memref<16x128x128xf32, #tpu.memory_space<vmem_shared>> -> memref<1x128x128xf32, #tpu.memory_space<vmem_shared>>
      %dma_start3A_262 = tpu.memref_squeeze %dma_start3A_261 : memref<1x128x128xf32, #tpu.memory_space<vmem_shared>> -> memref<128x128xf32, #tpu.memory_space<vmem_shared>>
      %dma_start3A_263 = arith.constant 0 : i32
      %dma_start3A_264 = arith.constant 0 : i32
      %dma_start3A_265 = tpu.memref_slice %arg6[%dma_start3A_250, %dma_start3A_263, %dma_start3A_264] : memref<5x128x128xf32, #tpu.memory_space<vmem>> -> memref<1x128x128xf32, #tpu.memory_space<vmem>>
      %dma_start3A_266 = tpu.memref_squeeze %dma_start3A_265 : memref<1x128x128xf32, #tpu.memory_space<vmem>> -> memref<128x128xf32, #tpu.memory_space<vmem>>
      tpu.enqueue_dma source(%dma_start3A_266 : memref<128x128xf32, #tpu.memory_space<vmem>>) target(%dma_start3A_262 : memref<128x128xf32, #tpu.memory_space<vmem_shared>>) target_semaphore(%arg19 : memref<!tpu.dma_semaphore, #tpu.memory_space<semaphore_mem>>)
      %add3A_267 = arith.constant 3 : i32
      %add3A_268 = arith.addi %add3A_234, %add3A_267 : i32
      %lt3A_269 = arith.constant 200 : i32
      %lt3A_270 = arith.cmpi slt, %add3A_268, %lt3A_269 : i32
      %convert_element_type3A_271 = arith.extui %lt3A_270 : i1 to i32
      %cond3A_272 = arith.constant 0 : i32
      %cond3A_273 = arith.cmpi ne, %convert_element_type3A_271, %cond3A_272 : i32
      scf.if %cond3A_273 {
        %dma_start3A_340 = arith.constant 1 : i32
        %dma_start3A_341 = arith.constant 0 : i32
        %dma_start3A_342 = arith.constant 0 : i32
        %dma_start3A_343 = tpu.memref_slice %arg6[%dma_start3A_340, %dma_start3A_341, %dma_start3A_342] : memref<5x128x128xf32, #tpu.memory_space<vmem>> -> memref<1x128x128xf32, #tpu.memory_space<vmem>>
        %dma_start3A_344 = tpu.memref_squeeze %dma_start3A_343 : memref<1x128x128xf32, #tpu.memory_space<vmem>> -> memref<128x128xf32, #tpu.memory_space<vmem>>
        %dma_start3A_345 = arith.constant 0 : i32
        %dma_start3A_346 = tpu.memref_slice %arg5[%add3A_268, %dma_start3A_345] : memref<200x128xi32, #tpu.memory_space<vmem>> -> memref<1x128xi32, #tpu.memory_space<vmem>>
        %dma_start3A_347 = tpu.memref_squeeze %dma_start3A_346 : memref<1x128xi32, #tpu.memory_space<vmem>> -> memref<128xi32, #tpu.memory_space<vmem>>
        %dma_start3A_348 = arith.constant 0 : i32
        %dma_start3A_349 = arith.constant 0 : i32
        %dma_start3A_350 = tpu.memref_slice %arg3[%dma_start3A_348, %dma_start3A_349] : memref<100000x128xf32, #tpu.memory_space<hbm>> -> memref<100000x128xf32, #tpu.memory_space<hbm>>
        tpu.enqueue_indirect_dma source(%dma_start3A_350 : memref<100000x128xf32, #tpu.memory_space<hbm>>) target(%dma_start3A_344 : memref<128x128xf32, #tpu.memory_space<vmem>>) offsets(%dma_start3A_347 : memref<128xi32, #tpu.memory_space<vmem>>) semaphore(%arg9 : memref<!tpu.dma_semaphore, #tpu.memory_space<semaphore_mem>>)
      } else {
      }
      %mul3A_274 = arith.constant 5 : i32
      %mul3A_275 = arith.muli %scan3A_87, %mul3A_274 : i32
      %add3A_276 = arith.constant 4 : i32
      %add3A_277 = arith.addi %mul3A_275, %add3A_276 : i32
      %dma_wait3A_278 = arith.constant 4 : i32
      %dma_wait3A_279 = arith.constant 0 : i32
      %dma_wait3A_280 = arith.constant 0 : i32
      %dma_wait3A_281 = tpu.memref_slice %arg6[%dma_wait3A_278, %dma_wait3A_279, %dma_wait3A_280] : memref<5x128x128xf32, #tpu.memory_space<vmem>> -> memref<1x128x128xf32, #tpu.memory_space<vmem>>
      %dma_wait3A_282 = tpu.memref_squeeze %dma_wait3A_281 : memref<1x128x128xf32, #tpu.memory_space<vmem>> -> memref<128x128xf32, #tpu.memory_space<vmem>>
      %dma_wait3A_283 = arith.constant 0 : i32
      %dma_wait3A_284 = tpu.memref_slice %arg5[%add3A_277, %dma_wait3A_283] : memref<200x128xi32, #tpu.memory_space<vmem>> -> memref<1x128xi32, #tpu.memory_space<vmem>>
      %dma_wait3A_285 = tpu.memref_squeeze %dma_wait3A_284 : memref<1x128xi32, #tpu.memory_space<vmem>> -> memref<128xi32, #tpu.memory_space<vmem>>
      %dma_wait3A_286 = arith.constant 0 : i32
      %dma_wait3A_287 = arith.constant 0 : i32
      %dma_wait3A_288 = tpu.memref_slice %arg3[%dma_wait3A_286, %dma_wait3A_287] : memref<100000x128xf32, #tpu.memory_space<hbm>> -> memref<100000x128xf32, #tpu.memory_space<hbm>>
      tpu.wait_indirect_dma semaphore(%arg12 : memref<!tpu.dma_semaphore, #tpu.memory_space<semaphore_mem>>) src(%dma_wait3A_288 : memref<100000x128xf32, #tpu.memory_space<hbm>>) dst(%dma_wait3A_282 : memref<128x128xf32, #tpu.memory_space<vmem>>)
      %mul3A_289 = arith.constant 128 : i32
      %mul3A_290 = arith.muli %add3A_277, %mul3A_289 : i32
      %add3A_291 = arith.addi %mul3A_2, %mul3A_290 : i32
      %dma_start3A_292 = arith.constant 4 : i32
      %dma_start3A_293 = arith.constant 0 : i32
      %dma_start3A_294 = arith.constant 0 : i32
      %dma_start3A_295 = tpu.memref_slice %arg6[%dma_start3A_292, %dma_start3A_293, %dma_start3A_294] : memref<5x128x128xf32, #tpu.memory_space<vmem>> -> memref<1x128x128xf32, #tpu.memory_space<vmem>>
      %dma_start3A_296 = tpu.memref_squeeze %dma_start3A_295 : memref<1x128x128xf32, #tpu.memory_space<vmem>> -> memref<128x128xf32, #tpu.memory_space<vmem>>
      %dma_start3A_297 = arith.constant 0 : i32
      %dma_start3A_298 = tpu.memref_slice %arg4[%add3A_291, %dma_start3A_297] : memref<819200x128xf32, #tpu.memory_space<hbm>> -> memref<128x128xf32, #tpu.memory_space<hbm>>
      %dma_start3A_299 = arith.constant 0 : i32
      %dma_start3A_300 = tpu.memref_slice %arg4[%add3A_291, %dma_start3A_299] : memref<819200x128xf32, #tpu.memory_space<hbm>> -> memref<128x128xf32, #tpu.memory_space<hbm>>
      %dma_start3A_301 = arith.constant 0 : i32
      %dma_start3A_302 = arith.constant 0 : i32
      %dma_start3A_303 = tpu.memref_slice %arg6[%dma_start3A_292, %dma_start3A_301, %dma_start3A_302] : memref<5x128x128xf32, #tpu.memory_space<vmem>> -> memref<1x128x128xf32, #tpu.memory_space<vmem>>
      %dma_start3A_304 = tpu.memref_squeeze %dma_start3A_303 : memref<1x128x128xf32, #tpu.memory_space<vmem>> -> memref<128x128xf32, #tpu.memory_space<vmem>>
      tpu.enqueue_dma source(%dma_start3A_304 : memref<128x128xf32, #tpu.memory_space<vmem>>) target(%dma_start3A_300 : memref<128x128xf32, #tpu.memory_space<hbm>>) target_semaphore(%arg17 : memref<!tpu.dma_semaphore, #tpu.memory_space<semaphore_mem>>)
      %dma_wait3A_305 = arith.constant 3 : i32
      %dma_wait3A_306 = arith.constant 0 : i32
      %dma_wait3A_307 = arith.constant 0 : i32
      %dma_wait3A_308 = tpu.memref_slice %arg6[%dma_wait3A_305, %dma_wait3A_306, %dma_wait3A_307] : memref<5x128x128xf32, #tpu.memory_space<vmem>> -> memref<1x128x128xf32, #tpu.memory_space<vmem>>
      %dma_wait3A_309 = tpu.memref_squeeze %dma_wait3A_308 : memref<1x128x128xf32, #tpu.memory_space<vmem>> -> memref<128x128xf32, #tpu.memory_space<vmem>>
      %dma_wait3A_310 = arith.constant 0 : i32
      %dma_wait3A_311 = arith.constant 0 : i32
      %dma_wait3A_312 = tpu.memref_slice %arg7[%arg1, %dma_wait3A_310, %dma_wait3A_311] : memref<16x128x128xf32, #tpu.memory_space<vmem_shared>> -> memref<1x128x128xf32, #tpu.memory_space<vmem_shared>>
      %dma_wait3A_313 = tpu.memref_squeeze %dma_wait3A_312 : memref<1x128x128xf32, #tpu.memory_space<vmem_shared>> -> memref<128x128xf32, #tpu.memory_space<vmem_shared>>
      %dma_wait3A_314 = arith.constant 0 : i32
      %dma_wait3A_315 = arith.constant 0 : i32
      %dma_wait3A_316 = tpu.memref_slice %arg7[%arg1, %dma_wait3A_314, %dma_wait3A_315] : memref<16x128x128xf32, #tpu.memory_space<vmem_shared>> -> memref<1x128x128xf32, #tpu.memory_space<vmem_shared>>
      %dma_wait3A_317 = tpu.memref_squeeze %dma_wait3A_316 : memref<1x128x128xf32, #tpu.memory_space<vmem_shared>> -> memref<128x128xf32, #tpu.memory_space<vmem_shared>>
      %dma_wait3A_318 = arith.constant 0 : i32
      %dma_wait3A_319 = arith.constant 0 : i32
      %dma_wait3A_320 = tpu.memref_slice %arg6[%dma_wait3A_305, %dma_wait3A_318, %dma_wait3A_319] : memref<5x128x128xf32, #tpu.memory_space<vmem>> -> memref<1x128x128xf32, #tpu.memory_space<vmem>>
      %dma_wait3A_321 = tpu.memref_squeeze %dma_wait3A_320 : memref<1x128x128xf32, #tpu.memory_space<vmem>> -> memref<128x128xf32, #tpu.memory_space<vmem>>
      tpu.wait_dma2 semaphore(%arg19 : memref<!tpu.dma_semaphore, #tpu.memory_space<semaphore_mem>>) src(%dma_wait3A_321 : memref<128x128xf32, #tpu.memory_space<vmem>>) dst(%dma_wait3A_317 : memref<128x128xf32, #tpu.memory_space<vmem_shared>>)
      %sub3A_322 = arith.constant 1 : i32
      %sub3A_323 = arith.subi %add3A_277, %sub3A_322 : i32
      %mul3A_324 = arith.constant 128 : i32
      %mul3A_325 = arith.muli %sub3A_323, %mul3A_324 : i32
      %add3A_326 = arith.addi %mul3A_2, %mul3A_325 : i32
      %dma_start3A_327 = arith.constant 0 : i32
      %dma_start3A_328 = tpu.memref_slice %arg4[%add3A_326, %dma_start3A_327] : memref<819200x128xf32, #tpu.memory_space<hbm>> -> memref<128x128xf32, #tpu.memory_space<hbm>>
      %dma_start3A_329 = arith.constant 0 : i32
      %dma_start3A_330 = arith.constant 0 : i32
      %dma_start3A_331 = tpu.memref_slice %arg7[%arg1, %dma_start3A_329, %dma_start3A_330] : memref<16x128x128xf32, #tpu.memory_space<vmem_shared>> -> memref<1x128x128xf32, #tpu.memory_space<vmem_shared>>
      %dma_start3A_332 = tpu.memref_squeeze %dma_start3A_331 : memref<1x128x128xf32, #tpu.memory_space<vmem_shared>> -> memref<128x128xf32, #tpu.memory_space<vmem_shared>>
      tpu.enqueue_dma source(%dma_start3A_332 : memref<128x128xf32, #tpu.memory_space<vmem_shared>>) target(%dma_start3A_328 : memref<128x128xf32, #tpu.memory_space<hbm>>) target_semaphore(%arg18 : memref<!tpu.dma_semaphore, #tpu.memory_space<semaphore_mem>>)
      %add3A_333 = arith.constant 3 : i32
      %add3A_334 = arith.addi %add3A_277, %add3A_333 : i32
      %lt3A_335 = arith.constant 200 : i32
      %lt3A_336 = arith.cmpi slt, %add3A_334, %lt3A_335 : i32
      %convert_element_type3A_337 = arith.extui %lt3A_336 : i1 to i32
      %cond3A_338 = arith.constant 0 : i32
      %cond3A_339 = arith.cmpi ne, %convert_element_type3A_337, %cond3A_338 : i32
      scf.if %cond3A_339 {
        %ge3A_340 = arith.constant 2 : i32
        %ge3A_341 = arith.cmpi sge, %add3A_277, %ge3A_340 : i32
        %convert_element_type3A_342 = arith.extui %ge3A_341 : i1 to i32
        %cond3A_343 = arith.constant 0 : i32
        %cond3A_344 = arith.cmpi ne, %convert_element_type3A_342, %cond3A_343 : i32
        scf.if %cond3A_344 {
          %dma_wait3A_356 = arith.constant 2 : i32
          %dma_wait3A_357 = arith.constant 0 : i32
          %dma_wait3A_358 = arith.constant 0 : i32
          %dma_wait3A_359 = tpu.memref_slice %arg6[%dma_wait3A_356, %dma_wait3A_357, %dma_wait3A_358] : memref<5x128x128xf32, #tpu.memory_space<vmem>> -> memref<1x128x128xf32, #tpu.memory_space<vmem>>
          %dma_wait3A_360 = tpu.memref_squeeze %dma_wait3A_359 : memref<1x128x128xf32, #tpu.memory_space<vmem>> -> memref<128x128xf32, #tpu.memory_space<vmem>>
          %dma_wait3A_361 = arith.constant 0 : i32
          %dma_wait3A_362 = tpu.memref_slice %arg4[%mul3A_2, %dma_wait3A_361] : memref<819200x128xf32, #tpu.memory_space<hbm>> -> memref<128x128xf32, #tpu.memory_space<hbm>>
          %dma_wait3A_363 = arith.constant 0 : i32
          %dma_wait3A_364 = tpu.memref_slice %arg4[%mul3A_2, %dma_wait3A_363] : memref<819200x128xf32, #tpu.memory_space<hbm>> -> memref<128x128xf32, #tpu.memory_space<hbm>>
          %dma_wait3A_365 = arith.constant 0 : i32
          %dma_wait3A_366 = arith.constant 0 : i32
          %dma_wait3A_367 = tpu.memref_slice %arg6[%dma_wait3A_356, %dma_wait3A_365, %dma_wait3A_366] : memref<5x128x128xf32, #tpu.memory_space<vmem>> -> memref<1x128x128xf32, #tpu.memory_space<vmem>>
          %dma_wait3A_368 = tpu.memref_squeeze %dma_wait3A_367 : memref<1x128x128xf32, #tpu.memory_space<vmem>> -> memref<128x128xf32, #tpu.memory_space<vmem>>
          tpu.wait_dma2 semaphore(%arg15 : memref<!tpu.dma_semaphore, #tpu.memory_space<semaphore_mem>>) src(%dma_wait3A_368 : memref<128x128xf32, #tpu.memory_space<vmem>>) dst(%dma_wait3A_364 : memref<128x128xf32, #tpu.memory_space<hbm>>)
        } else {
        }
        %dma_start3A_345 = arith.constant 2 : i32
        %dma_start3A_346 = arith.constant 0 : i32
        %dma_start3A_347 = arith.constant 0 : i32
        %dma_start3A_348 = tpu.memref_slice %arg6[%dma_start3A_345, %dma_start3A_346, %dma_start3A_347] : memref<5x128x128xf32, #tpu.memory_space<vmem>> -> memref<1x128x128xf32, #tpu.memory_space<vmem>>
        %dma_start3A_349 = tpu.memref_squeeze %dma_start3A_348 : memref<1x128x128xf32, #tpu.memory_space<vmem>> -> memref<128x128xf32, #tpu.memory_space<vmem>>
        %dma_start3A_350 = arith.constant 0 : i32
        %dma_start3A_351 = tpu.memref_slice %arg5[%add3A_334, %dma_start3A_350] : memref<200x128xi32, #tpu.memory_space<vmem>> -> memref<1x128xi32, #tpu.memory_space<vmem>>
        %dma_start3A_352 = tpu.memref_squeeze %dma_start3A_351 : memref<1x128xi32, #tpu.memory_space<vmem>> -> memref<128xi32, #tpu.memory_space<vmem>>
        %dma_start3A_353 = arith.constant 0 : i32
        %dma_start3A_354 = arith.constant 0 : i32
        %dma_start3A_355 = tpu.memref_slice %arg3[%dma_start3A_353, %dma_start3A_354] : memref<100000x128xf32, #tpu.memory_space<hbm>> -> memref<100000x128xf32, #tpu.memory_space<hbm>>
        tpu.enqueue_indirect_dma source(%dma_start3A_355 : memref<100000x128xf32, #tpu.memory_space<hbm>>) target(%dma_start3A_349 : memref<128x128xf32, #tpu.memory_space<vmem>>) offsets(%dma_start3A_352 : memref<128xi32, #tpu.memory_space<vmem>>) semaphore(%arg10 : memref<!tpu.dma_semaphore, #tpu.memory_space<semaphore_mem>>)
      } else {
      }
    }
    %scan3A_42 = arith.constant 40 : i32
    %dma_wait3A = arith.constant 0 : i32
    %dma_wait3A_43 = arith.constant 0 : i32
    %dma_wait3A_44 = arith.constant 0 : i32
    %dma_wait3A_45 = tpu.memref_slice %arg6[%dma_wait3A, %dma_wait3A_43, %dma_wait3A_44] : memref<5x128x128xf32, #tpu.memory_space<vmem>> -> memref<1x128x128xf32, #tpu.memory_space<vmem>>
    %dma_wait3A_46 = tpu.memref_squeeze %dma_wait3A_45 : memref<1x128x128xf32, #tpu.memory_space<vmem>> -> memref<128x128xf32, #tpu.memory_space<vmem>>
    %dma_wait3A_47 = arith.constant 0 : i32
    %dma_wait3A_48 = tpu.memref_slice %arg4[%mul3A_2, %dma_wait3A_47] : memref<819200x128xf32, #tpu.memory_space<hbm>> -> memref<128x128xf32, #tpu.memory_space<hbm>>
    %dma_wait3A_49 = arith.constant 0 : i32
    %dma_wait3A_50 = tpu.memref_slice %arg4[%mul3A_2, %dma_wait3A_49] : memref<819200x128xf32, #tpu.memory_space<hbm>> -> memref<128x128xf32, #tpu.memory_space<hbm>>
    %dma_wait3A_51 = arith.constant 0 : i32
    %dma_wait3A_52 = arith.constant 0 : i32
    %dma_wait3A_53 = tpu.memref_slice %arg6[%dma_wait3A, %dma_wait3A_51, %dma_wait3A_52] : memref<5x128x128xf32, #tpu.memory_space<vmem>> -> memref<1x128x128xf32, #tpu.memory_space<vmem>>
    %dma_wait3A_54 = tpu.memref_squeeze %dma_wait3A_53 : memref<1x128x128xf32, #tpu.memory_space<vmem>> -> memref<128x128xf32, #tpu.memory_space<vmem>>
    tpu.wait_dma2 semaphore(%arg13 : memref<!tpu.dma_semaphore, #tpu.memory_space<semaphore_mem>>) src(%dma_wait3A_54 : memref<128x128xf32, #tpu.memory_space<vmem>>) dst(%dma_wait3A_50 : memref<128x128xf32, #tpu.memory_space<hbm>>)
    %dma_wait3A_55 = arith.constant 2 : i32
    %dma_wait3A_56 = arith.constant 0 : i32
    %dma_wait3A_57 = arith.constant 0 : i32
    %dma_wait3A_58 = tpu.memref_slice %arg6[%dma_wait3A_55, %dma_wait3A_56, %dma_wait3A_57] : memref<5x128x128xf32, #tpu.memory_space<vmem>> -> memref<1x128x128xf32, #tpu.memory_space<vmem>>
    %dma_wait3A_59 = tpu.memref_squeeze %dma_wait3A_58 : memref<1x128x128xf32, #tpu.memory_space<vmem>> -> memref<128x128xf32, #tpu.memory_space<vmem>>
    %dma_wait3A_60 = arith.constant 0 : i32
    %dma_wait3A_61 = tpu.memref_slice %arg4[%mul3A_2, %dma_wait3A_60] : memref<819200x128xf32, #tpu.memory_space<hbm>> -> memref<128x128xf32, #tpu.memory_space<hbm>>
    %dma_wait3A_62 = arith.constant 0 : i32
    %dma_wait3A_63 = tpu.memref_slice %arg4[%mul3A_2, %dma_wait3A_62] : memref<819200x128xf32, #tpu.memory_space<hbm>> -> memref<128x128xf32, #tpu.memory_space<hbm>>
    %dma_wait3A_64 = arith.constant 0 : i32
    %dma_wait3A_65 = arith.constant 0 : i32
    %dma_wait3A_66 = tpu.memref_slice %arg6[%dma_wait3A_55, %dma_wait3A_64, %dma_wait3A_65] : memref<5x128x128xf32, #tpu.memory_space<vmem>> -> memref<1x128x128xf32, #tpu.memory_space<vmem>>
    %dma_wait3A_67 = tpu.memref_squeeze %dma_wait3A_66 : memref<1x128x128xf32, #tpu.memory_space<vmem>> -> memref<128x128xf32, #tpu.memory_space<vmem>>
    tpu.wait_dma2 semaphore(%arg15 : memref<!tpu.dma_semaphore, #tpu.memory_space<semaphore_mem>>) src(%dma_wait3A_67 : memref<128x128xf32, #tpu.memory_space<vmem>>) dst(%dma_wait3A_63 : memref<128x128xf32, #tpu.memory_space<hbm>>)
    %dma_wait3A_68 = arith.constant 4 : i32
    %dma_wait3A_69 = arith.constant 0 : i32
    %dma_wait3A_70 = arith.constant 0 : i32
    %dma_wait3A_71 = tpu.memref_slice %arg6[%dma_wait3A_68, %dma_wait3A_69, %dma_wait3A_70] : memref<5x128x128xf32, #tpu.memory_space<vmem>> -> memref<1x128x128xf32, #tpu.memory_space<vmem>>
    %dma_wait3A_72 = tpu.memref_squeeze %dma_wait3A_71 : memref<1x128x128xf32, #tpu.memory_space<vmem>> -> memref<128x128xf32, #tpu.memory_space<vmem>>
    %dma_wait3A_73 = arith.constant 0 : i32
    %dma_wait3A_74 = tpu.memref_slice %arg4[%mul3A_2, %dma_wait3A_73] : memref<819200x128xf32, #tpu.memory_space<hbm>> -> memref<128x128xf32, #tpu.memory_space<hbm>>
    %dma_wait3A_75 = arith.constant 0 : i32
    %dma_wait3A_76 = tpu.memref_slice %arg4[%mul3A_2, %dma_wait3A_75] : memref<819200x128xf32, #tpu.memory_space<hbm>> -> memref<128x128xf32, #tpu.memory_space<hbm>>
    %dma_wait3A_77 = arith.constant 0 : i32
    %dma_wait3A_78 = arith.constant 0 : i32
    %dma_wait3A_79 = tpu.memref_slice %arg6[%dma_wait3A_68, %dma_wait3A_77, %dma_wait3A_78] : memref<5x128x128xf32, #tpu.memory_space<vmem>> -> memref<1x128x128xf32, #tpu.memory_space<vmem>>
    %dma_wait3A_80 = tpu.memref_squeeze %dma_wait3A_79 : memref<1x128x128xf32, #tpu.memory_space<vmem>> -> memref<128x128xf32, #tpu.memory_space<vmem>>
    tpu.wait_dma2 semaphore(%arg17 : memref<!tpu.dma_semaphore, #tpu.memory_space<semaphore_mem>>) src(%dma_wait3A_80 : memref<128x128xf32, #tpu.memory_space<vmem>>) dst(%dma_wait3A_76 : memref<128x128xf32, #tpu.memory_space<hbm>>)
    %dma_wait3A_81 = arith.constant 0 : i32
    %dma_wait3A_82 = tpu.memref_slice %arg4[%mul3A_2, %dma_wait3A_81] : memref<819200x128xf32, #tpu.memory_space<hbm>> -> memref<128x128xf32, #tpu.memory_space<hbm>>
    %dma_wait3A_83 = arith.constant 0 : i32
    %dma_wait3A_84 = arith.constant 0 : i32
    %dma_wait3A_85 = tpu.memref_slice %arg7[%arg1, %dma_wait3A_83, %dma_wait3A_84] : memref<16x128x128xf32, #tpu.memory_space<vmem_shared>> -> memref<1x128x128xf32, #tpu.memory_space<vmem_shared>>
    %dma_wait3A_86 = tpu.memref_squeeze %dma_wait3A_85 : memref<1x128x128xf32, #tpu.memory_space<vmem_shared>> -> memref<128x128xf32, #tpu.memory_space<vmem_shared>>
    tpu.wait_dma2 semaphore(%arg18 : memref<!tpu.dma_semaphore, #tpu.memory_space<semaphore_mem>>) src(%dma_wait3A_86 : memref<128x128xf32, #tpu.memory_space<vmem_shared>>) dst(%dma_wait3A_82 : memref<128x128xf32, #tpu.memory_space<hbm>>)
    return
  }
}

</mosaic_0001>

<sc_bundles>
// kernel: kernel.3.cloned.1.call-start
scs
__scs_entry_jumppad:
0x0: {  	(pc) =	sbr.rel $0x88, $3  }
0x1: {  	(tag) =	ssettag $0x0;
	lr =	simm.s32 $0x1  }
0x2: {  	[smem:$0x3F9F] =	sst lr;
	_ =	strace $0xD0000000  }
0x3: {  	_ = 	snop  }
0x4: {  	_ = 	snop  }
0x5: {  	_ = 	snop  }
0x6: {  	_ = 	snop  }
0x7: {  	_ = 	snop  }
__scs_overlays_trampoline_lowered:
0x8: {  	[smem:$0x3FAE] =	sst s0  }
0x9: {  	[smem:$0x3FAF] =	sst s1  }
0xa: {  	[smem:$0x3FB0] =	sst s2  }
0xb: {  	[smem:$0x3FB1] =	sst s3  }
0xc: {  	[smem:$0x3FB2] =	sst s4  }
0xd: {  	[smem:$0x3FB3] =	sst s5  }
0xe: {  	[smem:$0x3FB4] =	sst s6  }
0xf: {  	[smem:$0x3FB5] =	sst s7  }
0x10: {  	[smem:$0x3FB6] =	sst s8  }
0x11: {  	[smem:$0x3FB7] =	sst s9;
	s0 =	simm.s32 @!p0 $0x0  }
0x12: {  	s1 =	sld [smem:$0x3F9D];
	s0 =	simm.s32 @p0 $0x1  }
0x13: {  	[smem:$0x3FB8] =	sst s0;
	s0 =	simm.s32 @!p1 $0x0  }
0x14: {  	s2 =	sld [smem:$0x3F9C];
	s0 =	simm.s32 @p1 $0x1  }
0x15: {  	[smem:$0x3FB9] =	sst s0;
	s0 =	simm.s32 @!p2 $0x0  }
0x16: {  	s3 =	sld [smem:$0x3FDB];
	s0 =	simm.s32 @p2 $0x1  }
0x17: {  	s4 =	simm.s32 $0x1BF5;
	[smem:$0x3FBB] =	sst s0  }
0x18: {  	s0 =	sld [smem:$0x3F9E];
	_ =	swait.ge [sflag:s4], $0x0  }
0x19: {  	s7 =	sld [smem:$0x3F9F]  }
0x1a: {  	s8 =	sadd.s32 $0xFFFFE003, lr  }
0x1b: {  	s9 =	sadd.s32 $0xFFFFFEF7, lr;
	s5 =	simm.s32 $0xFFFFFFFF;
	p2 =	slt.u32 s8, $0xFFFFF086  }
0x1c: {  	p1 =	slt.u32 s9, $0xF7A;
	s5 =	simm.s32 @!p2 $0x0  }
0x1d: {  	s5 =	simm.s32 @p1 $0x1;
	p0 =	seq.s32 s7, s2  }
0x1e: {  	s7 =	smul.u32 @!p0 $0xF7A, s2;
	p2 =	seq.s32 @!p0 s5, $0x0  }
0x1f: {  	s9 =	smul.u32 $0xF7A, s1;
	s8 =	simm.s32 @!p0 $0x1BF5;
	p2 =	por !p2, p0  }
0x20: {  	[sflag:s8] =	ssyncset.s32 @!p0 $0xFFFFF086;
	s6 =	sadd.s32 @!p0 s3, s7;
	s7 =	simm.s32 @!p0 $0x108  }
0x21: {  	s3 =	sadd.s32 s3, s9;
	s6 =	sadd.s32 @!p0 $0x88, s6;
	s7 =	simm.s32 @p2 $0x1082  }
0x22: {  	[simem:s7], [sflag:s8] =	dma.local @!p0 [hbm:s6], $0xF7A  }
0x23: {  	s9 =	sor.u32 $0xD0000000, s2;
	s6 =	simm.s32 $0x108;
	_ =	swait.ge @!p0 [sflag:s8], $0x0  }
0x24: {  	s3 =	sadd.s32 $0x88, s3;
	s6 =	simm.s32 @!p1 $0x1082;
	[sflag:s4] =	ssyncset.s32 $0xFFFFF086  }
0x25: {  	[simem:s6], [sflag:s4] =	dma.local [hbm:s3], $0xF7A  }
0x26: {  	[smem:$0x3F9F] =	sst s1;
	(tag) =	ssettag s2;
	_ =	strace s9  }
0x27: {  	s1 =	sld [smem:$0x3FAF]  }
0x28: {  	s2 =	sld [smem:$0x3FB0]  }
0x29: {  	s4 =	sld [smem:$0x3FB2]  }
0x2a: {  	p0 =	seq.s32 s5, $0x0;
	s5 =	sld [smem:$0x3FB3]  }
0x2b: {  	s6 =	sld [smem:$0x3FB4]  }
0x2c: {  	s7 =	sld [smem:$0x3FB5]  }
0x2d: {  	s3 =	simm.s32 $0x108;
	s8 =	sld [smem:$0x3FB6]  }
0x2e: {  	s3 =	simm.s32 @!p0 $0x1082;
	s9 =	sld [smem:$0x3FB7]  }
0x2f: {  	lr =	sadd.s32 s0, s3;
	s0 =	sld [smem:$0x3FAE]  }
0x30: {  	s3 =	sld [smem:$0x3FB1]  }
0x31: {  	[smem:$0x3FBA] =	sst s10  }
0x32: {  	s10 =	sld [smem:$0x3FB8];
	_ =	sdelay $0x3  }
0x33: {  	p0 =	seq.s32 s10, $0x1;
	s10 =	sld [smem:$0x3FBA];
	_ =	sdelay $0x3  }
0x34: {  	[smem:$0x3FBA] =	sst s10  }
0x35: {  	s10 =	sld [smem:$0x3FB9];
	_ =	sdelay $0x3  }
0x36: {  	p1 =	seq.s32 s10, $0x1;
	s10 =	sld [smem:$0x3FBA];
	_ =	sdelay $0x3  }
0x37: {  	[smem:$0x3FBA] =	sst s10  }
0x38: {  	s10 =	sld [smem:$0x3FBB]  }
0x39: {  	_ = 	snop;
	(pc) =	sbr.ind lr, $3  }
0x3a: {  	_ = 	snop  }
0x3b: {  	_ = 	snop  }
0x3c: {  	p2 =	seq.s32 s10, $0x1;
	s10 =	sld [smem:$0x3FBA]  }
0x3d: {  	_ =	shalt  }
0x3e: {  	_ =	shalt  }
0x3f: {  	_ =	shalt  }
0x40: {  	_ =	shalt  }
0x41: {  	_ =	shalt  }
0x42: {  	_ =	shalt  }
0x43: {  	_ =	shalt  }
0x44: {  	_ =	shalt  }
0x45: {  	_ =	shalt  }
0x46: {  	_ =	shalt  }
0x47: {  	_ =	shalt  }
0x48: {  	_ =	shalt  }
0x49: {  	_ =	shalt  }
0x4a: {  	_ =	shalt  }
0x4b: {  	_ =	shalt  }
0x4c: {  	_ =	shalt  }
0x4d: {  	_ =	shalt  }
0x4e: {  	_ =	shalt  }
0x4f: {  	_ =	shalt  }
0x50: {  	_ =	shalt  }
0x51: {  	_ =	shalt  }
0x52: {  	_ =	shalt  }
0x53: {  	_ =	shalt  }
0x54: {  	_ =	shalt  }
0x55: {  	_ =	shalt  }
0x56: {  	_ =	shalt  }
0x57: {  	_ =	shalt  }
0x58: {  	_ =	shalt  }
0x59: {  	_ =	shalt  }
0x5a: {  	_ =	shalt  }
0x5b: {  	_ =	shalt  }
0x5c: {  	_ =	shalt  }
0x5d: {  	_ =	shalt  }
0x5e: {  	_ =	shalt  }
0x5f: {  	_ =	shalt  }
0x60: {  	_ =	shalt  }
0x61: {  	_ =	shalt  }
0x62: {  	_ =	shalt  }
0x63: {  	_ =	shalt  }
0x64: {  	_ =	shalt  }
0x65: {  	_ =	shalt  }
0x66: {  	_ =	shalt  }
0x67: {  	_ =	shalt  }
0x68: {  	_ =	shalt  }
0x69: {  	_ =	shalt  }
0x6a: {  	_ =	shalt  }
0x6b: {  	_ =	shalt  }
0x6c: {  	_ =	shalt  }
0x6d: {  	_ =	shalt  }
0x6e: {  	_ =	shalt  }
0x6f: {  	_ =	shalt  }
0x70: {  	_ =	shalt  }
0x71: {  	_ =	shalt  }
0x72: {  	_ =	shalt  }
0x73: {  	_ =	shalt  }
0x74: {  	_ =	shalt  }
0x75: {  	_ =	shalt  }
0x76: {  	_ =	shalt  }
0x77: {  	_ =	shalt  }
0x78: {  	_ =	shalt  }
0x79: {  	_ =	shalt  }
0x7a: {  	_ =	shalt  }
0x7b: {  	_ =	shalt  }
0x7c: {  	_ =	shalt  }
0x7d: {  	_ =	shalt  }
0x7e: {  	_ =	shalt  }
0x7f: {  	_ =	shalt  }
0x80: {  	_ =	shalt  }
0x81: {  	_ =	shalt  }
0x82: {  	_ =	shalt  }
0x83: {  	_ =	shalt  }
0x84: {  	_ =	shalt  }
0x85: {  	_ =	shalt  }
0x86: {  	_ =	shalt  }
0x87: {  	_ =	shalt  }
.Lfunc_end0:
.L_simem_size_0:
called_computation_lowered:
.L_overlay_start_0:
0x88: {  	s2 =	sld [smem:$0x3FD9]  }
0x89: {  	s3 =	sld [smem:$0x3FFE];
	_ =	sdelay $0x1  }
0x8a: {  	s1 =	srdreg.scid  }
0x8b: {  	s0 =	sand.u32 $0x1, s1  }
0x8c: {  	s17 =	sshll.u32 s0, $0xA;
	s2 =	sadd.s32 s3, s2  }
0x8d: {  	s2 =	sadd.s32 s2, s17  }
0x8e: {  	[smem:$0x3FC6] =	sst s2  }
0x8f: {  	_ = 	snop  }
0x90: {  	s2 =	sld [smem:$0x3FC8]  }
0x91: {  	s18 =	sld [smem:$0x3FD0];
	(tm) =	ssettm $0x1  }
0x92: {  	s4 =	sld [smem:$0x3FFB];
	_ =	sdelay $0x3  }
0x93: {  	_ =	strace s4  }
0x94: {  	s4 =	sld [smem:$0x3FFC];
	_ =	sdelay $0x3  }
0x95: {  	_ =	strace s4  }
0x96: {  	s4 =	sld [smem:$0x3FFD];
	_ =	sdelay $0x3  }
0x97: {  	_ =	strace s4  }
0x98: {  	_ =	strace $0x8FFFFFFF  }
0x99: {  	s19 =	sld [smem:$0x3FDB];
	_ =	sdelay $0x1  }
0x9a: {  	s5 =	simm.s32 $_scs_section_size  }
0x9b: {  	s6 =	simm.s32 $_size__tile_overlayer_lowered;
	s7 =	simm.s32 $_tile_overlayer_lowered  }
0x9c: {  	s22 =	simm.s32 $0x1BFF;
	s21 =	sshll.u32 s7, $0x1;
	s4 =	sadd.s32 s5, s19  }
0x9d: {  	s8 =	simm.s32 $0x0;
	s20 =	sshll.u32 s6, $0x1;
	s6 =	sadd.s32 s21, s4  }
0x9e: {  	[timem:s8], [sflag:s22] =	dma.local [hbm:s6], s20  }
0x9f: {  	_ =	swait.ge [sflag:s22], s20  }
0xa0: {  	s5 =	ssub.s32 $0x0, s20;
	[sflag:s22] =	ssyncset.done $0x0  }
0xa1: {  	[sflag:s22] =	ssyncadd.s32 s5;
	_ =	sdelay $0x1  }
0xa2: {  	s23 =	simm.s32 $0x1B8B  }
0xa3: {  	_ =	swait.ge [sflag:s23], $0x1  }
0xa4: {  	[sflag:s23] =	ssyncset.done $0x0  }
0xa5: {  	s25 =	simm.s32 $0x1B8E;
	s24 =	sld [smem:$0x3FFE];
	[sflag:s23] =	ssyncadd.s32 $0xFFFFFFFF  }
0xa6: {  	s26 =	simm.s32 $execute0_lowered;
	[smem:$0x3FD2] =	sst s25  }
0xa7: {  	s6 =	sshll.u32 s26, $0x1;
	_ =	strace $0x80000046;
	[dreg:$0x1] =	wrdreg $0xFFFFFFFF  }
0xa8: {  	s28 =	simm.s32 $_size_execute0_lowered;
	s4 =	sadd.s32 s4, s6;
	[dreg:$0x0] =	wrdreg $0x0  }
0xa9: {  	s6 =	sshll.u32 s28, $0x1;
	[dreg:$0x2] =	wrdreg s4  }
0xaa: {  	[dreg:$0x3] =	wrdreg s6  }
0xab: {  	[dreg:$0x4] =	wrdreg $0xC0  }
0xac: {  	_ =	task [dreg:s8], $0x5FFFF  }
0xad: {  	[dreg:$0x1] =	wrdreg $0xFFFFFFFF  }
0xae: {  	[dreg:$0x0] =	wrdreg $0x60  }
0xaf: {  	[dreg:$0x2] =	wrdreg s24  }
0xb0: {  	[dreg:$0x3] =	wrdreg s2  }
0xb1: {  	[dreg:$0x4] =	wrdreg s18  }
0xb2: {  	[dreg:$0x5] =	wrdreg $0x1A4000  }
0xb3: {  	[dreg:$0x6] =	wrdreg $0x9  }
0xb4: {  	_ =	task.clear_ibuf [dreg:s8], $0x7FFFF;
	_ =	strace $0x90000046  }
0xb5: {  	s29 =	simm.s32 $0x9;
	_ =	strace $0x80000048  }
0xb6: {  	_ =	swait.ge [sflag:s29], $0x1  }
0xb7: {  	[sflag:s29] =	ssyncadd.s32 $0xFFFFFFFF  }
0xb8: {  	_ =	strace $0x90000048  }
0xb9: {  	_ =	sfence  }
0xba: {  	s30 =	sld [smem:$0x0];
	_ =	sdelay $0x2  }
0xbb: {  	s31 =	sshll.u32 s1, $0xD;
	s1 =	sshrl.u32 s1, $0x2  }
0xbc: {  	s3 =	sand.u32 $0x4000, s31;
	s1 =	sadd.s32 s1, s30  }
0xbd: {  	s0 =	sor.u32 s3, s0;
	s1 =	sshll.u32 s1, $0x11  }
0xbe: {  	s0 =	sor.u32 s1, s0  }
0xbf: {  	s0 =	sadd.s32 $0x8F2B, s0  }
0xc0: {  	[sflag:s0] =	ssyncadd.remote.s32 $0x1  }
0xc1: {  	_ =	sfence.sel $0xFFFF  }
0xc2: {  	[dreg:$0x0] =	wrdreg $0xFFFFFFFF;
	(pc) =	sbr.abs _section_cstart, $3  }
0xc3: {  	[dreg:$0x1] =	wrdreg $0xFFFFFFFF  }
0xc4: {  	_ =	task.clear_ibuf [dreg:s8], $0x2FFFF;
	_ =	strace $0x9FFFFFFF  }
0xc5: {  	(tm) =	ssettm $0x7FFFFFFF  }
tec
execute0_lowered:
.L_overlay_start_1:
0x0: {  	(tag) =	ssettag $0x1  }
0x1: {  	s0 =	rddreg [dreg:$0x0]  }
0x2: {  	s1 =	rddreg [dreg:$0x1]  }
0x3: {  	s2 =	srdreg.scid;
	s3 =	rddreg [dreg:$0x2]  }
0x4: {  	s12 =	stileid.u32;
	s6 =	rddreg [dreg:$0x3];
	s14 =	simm.s32 $0x80  }
0x5: {  	s15 =	simm.s32 $0x6400;
	s18 =	simm.s32 $0xE400;
	s19 =	simm.s32 $0x1  }
0x6: {  	s20 =	simm.s32 $0x12400;
	s21 =	simm.s32 $0x2;
	s28 =	simm.s32 $0x5  }
0x7: {  	s30 =	simm.s32 $0x7;
	s2 =	sand.u32 $0x1, s2;
	s8 =	smul.u32 $0x640000, s12  }
0x8: {  	s4 =	sshll.u32 s12, $0x1;
	s22 =	sshll.u32 s12, $0xE;
	s25 =	smul.u32 $0xC8000, s12  }
0x9: {  	s31 =	sshll.u32 s12, $0x6;
	s5 =	sor.u32 s2, s4;
	s10 =	smul.u32 $0x320000, s2  }
0xa: {  	s4 =	simm.s32 $0x0;
	s9 =	ssub.s32 $0x2, s2;
	s2 =	smul.u32 $0x64000, s2  }
0xb: {  	s6 =	sadd.s32 s22, s6;
	s7 =	smul.u32 $0x6400, s5;
	[smem:$0x7FF] =	sst s4  }
0xc: {  	s22 =	simm.s32 $0x16400;
	s11 =	sshrl.u32 s9, $0x1;
	_ =	strace $0x80000047  }
0xd: {  	s9 =	ssub.s32 s9, s11;
	s8 =	sadd.s32 s10, s8;
	s7 =	sshrl.u32 s7, $0x3  }
0xe: {  	s10 =	sor.u32 $0x4000, s8;
	s24 =	smax.u32 s9, $0x1;
	s26 =	sor.u32 $0x8000, s8  }
0xf: {  	s8 =	sor.u32 $0xC000, s8;
	s0 =	sadd.s32 s7, s0;
	s7 =	smul.u32 $0x320000, s5  }
0x10: {  	s23 =	sshrl.u32 s10, $0x3;
	[dreg:$0x6] =	wrdreg s24;
	s5 =	sshrl.u32 s26, $0x3  }
0x11: {  	s8 =	sshrl.u32 s8, $0x3;
	s24 =	simm.s32 $0xA;
	s0 =	sadd.s32 $0x400, s0  }
.Ltmp0:
0x12: {  	s5 =	sadd.s32 s5, s3;
	[dreg:$0x5] =	wrdreg s0;
	(pc) =	sbr.rel .LBB2_1-.Ltmp0, $4  }
0x13: {  	s26 =	sshrl.u32 s6, $0x3;
	s0 =	sadd.s32 s23, s3;
	[dreg:$0x8] =	wrdreg s5  }
0x14: {  	s29 =	sadd.s32 s8, s3;
	[dreg:$0x7] =	wrdreg s0;
	s0 =	sadd.s32 s25, s3  }
0x15: {  	[dreg:$0xa] =	wrdreg s29;
	s23 =	simm.s32 $0x3;
	s0 =	sadd.s32 s2, s0  }
0x16: {  	s25 =	sor.u32 $0x1C09, s31;
	[dreg:$0x9] =	wrdreg s0;
	s0 =	simm.s32 $0x0  }
.LBB2_4:
0x17: {  	s2 =	simm.s32 $0x6  }
0x18: {  	_ =	swait.ge [sflag:s2], $0x4000  }
0x19: {  	[sflag:s2] =	ssyncset.done $0x0  }
0x1a: {  	[sflag:s2] =	ssyncadd.s32 $0xFFFFC000  }
0x1b: {  	_ =	swait.ge [sflag:s30], $0x4000  }
0x1c: {  	[sflag:s30] =	ssyncset.done $0x0  }
0x1d: {  	s29 =	simm.s32 $0x8;
	[sflag:s30] =	ssyncadd.s32 $0xFFFFC000  }
0x1e: {  	_ =	swait.ge [sflag:s29], $0x4000  }
0x1f: {  	[sflag:s29] =	ssyncset.done $0x0  }
0x20: {  	s5 =	simm.s32 $0x9;
	[sflag:s29] =	ssyncadd.s32 $0xFFFFC000  }
0x21: {  	_ =	swait.ge [sflag:s5], $0x800  }
0x22: {  	s0 =	sadd.s32 $0x1, s0;
	s31 =	rddreg [dreg:$0x6]  }
0x23: {  	p0 =	sne.s32 s0, s31  }
.Ltmp1:
0x24: {  	_ = 	snop;
	(pc) =	sbr.rel @!p0 .LBB2_5-.Ltmp1, $3  }
0x25: {  	_ =	sdelay $0x1  }
0x26: {  	[sflag:s5] =	ssyncset.done $0x0  }
0x27: {  	[sflag:s5] =	ssyncadd.s32 $0xFFFFF800  }
.LBB2_1:
0x28: {  	s2 =	rddreg [dreg:$0x5];
	s17 =	simm.s32 $0xB  }
0x29: {  	[tilespmem:s4], [sflag:$0xB] =	stream.linear.gather [hbm4b:s2+s4], $0x6400, $0x38;
	[tilespmem:$0x1E400] =	vst v63  }
0x2a: {  	_ =	swait.ge [sflag:s17], $0x6400  }
0x2b: {  	[sflag:s17] =	ssyncset.done $0x0;
	s12 =	rddreg [dreg:$0xa]  }
0x2c: {  	s11 =	rddreg [dreg:$0x9];
	[sflag:s17] =	ssyncadd.s32 $0xFFFF9C00  }
0x2d: {  	[tilespmem:s15], [sflag:$0x1] =	stream.indirect.gather [hbm4b:s1+s14], $0x80, s4, s14, $0xb8;
	[tilespmem:$0x1E400] =	vst v63  }
0x2e: {  	s29 =	simm.s32 $0xA400;
	s31 =	simm.s32 $0x100;
	s10 =	rddreg [dreg:$0x8]  }
0x2f: {  	[tilespmem:s29], [sflag:$0x2] =	stream.indirect.gather [hbm4b:s1+s14], $0x80, s14, s14, $0xb8;
	[tilespmem:$0x1E400] =	vst v63  }
0x30: {  	s16 =	simm.s32 $0x4;
	s8 =	simm.s32 $0x0;
	s9 =	rddreg [dreg:$0x7]  }
0x31: {  	[tilespmem:s18], [sflag:$0x3] =	stream.indirect.gather [hbm4b:s1+s14], $0x80, s31, s14, $0xb8;
	[tilespmem:$0x1E400] =	vst v63  }
.LBB2_2:
0x32: {  	_ =	swait.ge [sflag:s19], $0x4000  }
0x33: {  	[sflag:s19] =	ssyncset.done $0x0  }
0x34: {  	s5 =	sshra.s32 s8, $0x2;
	[sflag:s19] =	ssyncadd.s32 $0xFFFFC000  }
0x35: {  	[hbm4b:s11+s4] =	stream.linear.scatter [tilespmem:s15], [sflag:$0x6], $0x4000, $0x38;
	[tilespmem:$0x1E400] =	vst v63  }
0x36: {  	s17 =	sadd.s32 $0x180, s5  }
0x37: {  	[tilespmem:s20], [sflag:$0x4] =	stream.indirect.gather [hbm4b:s1+s14], $0x80, s17, s14, $0xb8;
	[tilespmem:$0x1E400] =	vst v63  }
0x38: {  	_ =	swait.ge [sflag:s21], $0x4000  }
0x39: {  	p0 =	sne.s32 s8, $0x0;
	[sflag:s21] =	ssyncset.done $0x0  }
0x3a: {  	s17 =	simm.s32 @p0 $0x9;
	[sflag:s21] =	ssyncadd.s32 $0xFFFFC000  }
0x3b: {  	_ =	swait.ge @p0 [sflag:s17], $0x800  }
0x3c: {  	[sflag:s17] =	ssyncset.done @p0 $0x0  }
0x3d: {  	[sflag:s17] =	ssyncadd.s32 @p0 $0xFFFFF800;
	s17 =	simm.s32 @p0 $0xA400  }
0x3e: {  	[spmem:s6] =	stream.linear.scatter @p0 [tilespmem:s17], [sflag:$0xA], $0x4000, $0x38;
	[tilespmem:$0x1E400] =	vst v63  }
0x3f: {  	s17 =	simm.s32 @p0 $0x8  }
0x40: {  	_ =	swait.ge @p0 [sflag:s17], $0x4000  }
0x41: {  	[sflag:s17] =	ssyncset.done @p0 $0x0  }
0x42: {  	[sflag:s17] =	ssyncadd.s32 @p0 $0xFFFFC000;
	s17 =	simm.s32 @!p0 $0xA400  }
0x43: {  	[spmem:s6] =	stream.linear.scatter @!p0 [tilespmem:s17], [sflag:$0xA], $0x4000, $0x38;
	[tilespmem:$0x1E400] =	vst v63  }
0x44: {  	s17 =	smov.u32 s16  }
0x45: {  	s17 =	simm.s32 @!p0 $0x4  }
0x46: {  	s13 =	sshll.u32 s17, $0x7  }
0x47: {  	s13 =	sand.u32 $0x3FFFFF80, s13  }
0x48: {  	[tilespmem:s22], [sflag:$0x5] =	stream.indirect.gather [hbm4b:s1+s14], $0x80, s13, s14, $0xb8;
	[tilespmem:$0x1E400] =	vst v63  }
0x49: {  	_ =	swait.ge [sflag:s23], $0x4000  }
0x4a: {  	[sflag:s23] =	ssyncset.done $0x0  }
0x4b: {  	[sflag:s23] =	ssyncadd.s32 $0xFFFFC000  }
0x4c: {  	[hbm4b:s10+s4] =	stream.linear.scatter [tilespmem:s18], [sflag:$0x7], $0x4000, $0x38;
	[tilespmem:$0x1E400] =	vst v63  }
0x4d: {  	_ =	swait.ge [sflag:s24], $0x4000  }
0x4e: {  	p0 =	seq.s32 s8, $0x18600;
	[sflag:s24] =	ssyncset.done $0x0  }
0x4f: {  	s13 =	simm.s32 @p0 $0x4;
	[sflag:s24] =	ssyncadd.s32 $0xFFFFC000  }
0x50: {  	[hbm:s9], [sflag:s25] =	dma.local [spmem:s26], $0x800  }
0x51: {  	_ =	swait.ge @p0 [sflag:s13], $0x4000  }
0x52: {  	[sflag:s13] =	ssyncset.done @p0 $0x0  }
0x53: {  	[sflag:s13] =	ssyncadd.s32 @p0 $0xFFFFC000;
	s13 =	simm.s32 @p0 $0x9  }
0x54: {  	_ =	swait.ge @p0 [sflag:s13], $0x800  }
0x55: {  	[sflag:s13] =	ssyncset.done @p0 $0x0  }
0x56: {  	[sflag:s13] =	ssyncadd.s32 @p0 $0xFFFFF800;
	s13 =	simm.s32 @p0 $0x12400  }
0x57: {  	[spmem:s6] =	stream.linear.scatter @p0 [tilespmem:s13], [sflag:$0xA], $0x4000, $0x38;
	[tilespmem:$0x1E400] =	vst v63  }
0x58: {  	s13 =	simm.s32 @!p0 $0x6  }
0x59: {  	_ =	swait.ge @!p0 [sflag:s13], $0x4000  }
0x5a: {  	[sflag:s13] =	ssyncset.done @!p0 $0x0  }
0x5b: {  	[sflag:s13] =	ssyncadd.s32 @!p0 $0xFFFFC000;
	s13 =	sshra.s32 @!p0 s8, $0x2  }
0x5c: {  	s31 =	simm.s32 @!p0 $0x80;
	s2 =	simm.s32 @!p0 $0x6400;
	s29 =	sadd.s32 @!p0 $0x280, s13  }
0x5d: {  	[tilespmem:s2], [sflag:$0x1] =	stream.indirect.gather @!p0 [hbm4b:s1+s31], $0x80, s29, s31, $0xb8;
	[tilespmem:$0x1E400] =	vst v63  }
0x5e: {  	s2 =	simm.s32 @!p0 $0x4  }
0x5f: {  	_ =	swait.ge @!p0 [sflag:s2], $0x4000  }
0x60: {  	[sflag:s2] =	ssyncset.done @!p0 $0x0  }
0x61: {  	[sflag:s2] =	ssyncadd.s32 @!p0 $0xFFFFC000;
	s2 =	simm.s32 @!p0 $0x9  }
0x62: {  	_ =	swait.ge @!p0 [sflag:s2], $0x800  }
0x63: {  	[sflag:s2] =	ssyncset.done @!p0 $0x0  }
0x64: {  	[sflag:s2] =	ssyncadd.s32 @!p0 $0xFFFFF800;
	s2 =	simm.s32 @!p0 $0x12400  }
0x65: {  	[spmem:s6] =	stream.linear.scatter @!p0 [tilespmem:s2], [sflag:$0xA], $0x4000, $0x38;
	[tilespmem:$0x1E400] =	vst v63  }
0x66: {  	s2 =	sadd.s32 @!p0 $0x300, s13;
	s13 =	simm.s32 @!p0 $0xA400  }
0x67: {  	[tilespmem:s13], [sflag:$0x2] =	stream.indirect.gather @!p0 [hbm4b:s1+s31], $0x80, s2, s31, $0xb8;
	[tilespmem:$0x1E400] =	vst v63  }
0x68: {  	s31 =	sshll.u32 s17, $0xE  }
0x69: {  	_ =	swait.ge [sflag:s28], $0x4000;
	s2 =	sadd.s32 s7, s31  }
0x6a: {  	[sflag:s28] =	ssyncset.done $0x0;
	s2 =	sshrl.u32 s2, $0x3  }
0x6b: {  	[sflag:s28] =	ssyncadd.s32 $0xFFFFC000;
	s2 =	sadd.s32 s3, s2  }
0x6c: {  	[hbm4b:s2+s4] =	stream.linear.scatter [tilespmem:s22], [sflag:$0x8], $0x4000, $0x38;
	[tilespmem:$0x1E400] =	vst v63  }
.Ltmp2:
0x6d: {  	_ = 	snop;
	(pc) =	sbr.rel @p0 .LBB2_4-.Ltmp2, $4  }
0x6e: {  	_ =	swait.ge [sflag:s24], $0x4000  }
0x6f: {  	[sflag:s24] =	ssyncset.done $0x0  }
0x70: {  	[sflag:s24] =	ssyncadd.s32 $0xFFFFC000  }
0x71: {  	[hbm:s12], [sflag:s25] =	dma.local [spmem:s26], $0x800  }
.Ltmp3:
0x72: {  	_ =	swait.ge [sflag:s30], $0x4000;
	(pc) =	sbr.rel .LBB2_2-.Ltmp3, $4  }
0x73: {  	s2 =	sadd.s32 $0x380, s5;
	s8 =	sadd.s32 $0xA00, s8;
	s9 =	sadd.s32 $0x2800, s9  }
0x74: {  	s10 =	sadd.s32 $0x2800, s10;
	s11 =	sadd.s32 $0x2800, s11;
	[sflag:s30] =	ssyncset.done $0x0  }
0x75: {  	s16 =	sadd.s32 $0x5, s16;
	s12 =	sadd.s32 $0x2800, s12;
	[sflag:s30] =	ssyncadd.s32 $0xFFFFC000  }
0x76: {  	[tilespmem:s18], [sflag:$0x3] =	stream.indirect.gather [hbm4b:s1+s14], $0x80, s2, s14, $0xb8;
	[tilespmem:$0x1E400] =	vst v63  }
.LBB2_5:
0x77: {  	_ =	sfence.sel $0x180000  }
0x78: {  	[bflag:$0x0] =	sbarrier.arrive $0xFFFF  }
0x79: {  	_ =	strace $0x90000047  }
0x7a: {  	s0 =	stileid.u32;
	[bflag:$0x2] =	sbarrier.arrive $0xFFFF  }
0x7b: {  	p0 =	sne.s32 s0, $0x0;
	s0 =	rddreg [dreg:$0x4]  }
0x7c: {  	s0 =	sadd.s32 @!p0 $0x100000, s0  }
0x7d: {  	[sflag:s0] =	ssyncadd.tile.s32 @!p0 $0x1;
	_ =	shalt  }
.Lfunc_end2:
_tile_overlayer_lowered:
.L_overlay_start_2:
0x7e: {  	(tag) =	ssettag $0x2  }
0x7f: {  	s0 =	rddreg [dreg:$0x0];
	s2 =	stileid.u32  }
0x80: {  	s1 =	rddreg [dreg:$0x1];
	p0 =	sne.s32 s2, $0x0  }
0x81: {  	s3 =	rddreg [dreg:$0x2];
	[bflag:$0x3] =	sbarrier.arrive $0xFFFF;
	s2 =	simm.s32 @!p0 $0x1C0B  }
0x82: {  	[timem:s3], [sflag:s2] =	dma.local @!p0 [hbm:s0], s1  }
0x83: {  	s0 =	simm.s32 @!p0 $0xB  }
0x84: {  	_ =	swait.ge @!p0 [sflag:s0], s1  }
0x85: {  	s1 =	ssub.s32 @!p0 $0x0, s1;
	[sflag:s0] =	ssyncset.done @!p0 $0x0  }
0x86: {  	[sflag:s0] =	ssyncadd.s32 @!p0 s1  }
0x87: {  	[bflag:$0x3] =	sbarrier.arrive $0xFFFF  }
0x88: {  	_ =	shalt  }

</sc_bundles>
